<compile_context>
chip_gen: v7x
topology: tpu7x:2x2x1
jax: 0.10.2.dev20260603
libtpu: 0.0.44.dev20260713+nightly
codegen_flags: <defaults>
</compile_context>

<pallas_src>
import functools

import jax
import jax.numpy as jnp
from jax import lax
from jax.experimental import pallas as pl
from jax.experimental.pallas import tpu as pltpu
from jax.experimental.pallas import tpu_sc as plsc

EMB = 32
NC = 2
NS = 16
NW = NC * NS
BLK = 2048


def _gather_sc(user_r, item_r, user_table, item_table, B):
    b_per_w = B // NW
    n_chunks = -(-b_per_w // 256)
    chunk = b_per_w // n_chunks
    mesh = plsc.VectorSubcoreMesh(core_axis_name="c", subcore_axis_name="s")

    @functools.partial(
        pl.kernel,
        mesh=mesh,
        out_type=jax.ShapeDtypeStruct((B, 128), jnp.float32),
        scratch_types=[
            pltpu.SMEM((b_per_w,), jnp.int32),
            pltpu.SMEM((b_per_w,), jnp.int32),
            pltpu.VMEM_SHARED((NS, b_per_w), jnp.int32),
            pltpu.VMEM_SHARED((NS, b_per_w), jnp.int32),
            pltpu.VMEM((chunk, EMB), jnp.float32),
            pltpu.VMEM((chunk, EMB), jnp.float32),
            pltpu.VMEM((chunk, 128), jnp.float32),
            pltpu.SemaphoreType.DMA,
            pltpu.SemaphoreType.DMA,
        ],
    )
    def gather_kernel(u_idx_hbm, i_idx_hbm, u_tab, i_tab, out,
                      uidx_s, iidx_s, ush_v, ish_v, urows_v, irows_v,
                      dense_v, usem, isem):
        sid = lax.axis_index("s")
        wid = sid * NC + lax.axis_index("c")
        base = wid * b_per_w
        pltpu.sync_copy(u_idx_hbm.at[wid], ush_v.at[sid])
        pltpu.sync_copy(i_idx_hbm.at[wid], ish_v.at[sid])
        pltpu.sync_copy(ush_v.at[sid], uidx_s)
        pltpu.sync_copy(ish_v.at[sid], iidx_s)

        for ch in range(n_chunks):
            off = ch * chunk

            @plsc.parallel_loop(0, chunk, unroll=8)
            def _(k, off=off):
                pltpu.async_copy(u_tab.at[pl.ds(uidx_s[off + k], 1)],
                                 urows_v.at[pl.ds(k, 1)], usem)
                pltpu.async_copy(i_tab.at[pl.ds(iidx_s[off + k], 1)],
                                 irows_v.at[pl.ds(k, 1)], isem)

            pltpu.make_async_copy(u_tab.at[pl.ds(0, chunk)],
                                  urows_v, usem).wait()
            pltpu.make_async_copy(i_tab.at[pl.ds(0, chunk)],
                                  irows_v, isem).wait()

            @plsc.parallel_loop(0, chunk, unroll=4)
            def _(k):
                for lo in (0, 16):
                    us = (pl.ds(k, 1), pl.ds(lo, 16))
                    dense_v.at[*us][...] = urows_v.at[*us][...]
                    id_ = (pl.ds(k, 1), pl.ds(EMB + lo, 16))
                    dense_v.at[*id_][...] = irows_v.at[*us][...]

            pltpu.sync_copy(dense_v, out.at[pl.ds(base + off, chunk)])

    return gather_kernel(user_r, item_r, user_table, item_table)


def _mlp_body(x_ref, w1u_ref, w1i_ref, b1_ref, w2_ref, b2_ref,
              w3_ref, b3_ref, o_ref):
    u = x_ref[:, :EMB]
    i = x_ref[:, EMB:2 * EMB]
    x1 = jnp.dot(u, w1u_ref[...], preferred_element_type=jnp.float32)
    x1 += jnp.dot(i, w1i_ref[...], preferred_element_type=jnp.float32)
    x1 = jnp.maximum(x1 + b1_ref[...], 0.0)
    x2 = jnp.dot(x1, w2_ref[...], preferred_element_type=jnp.float32)
    x2 = jnp.maximum(x2 + b2_ref[...], 0.0)
    logits = jnp.dot(x2, w3_ref[...], preferred_element_type=jnp.float32)
    logits = logits + b3_ref[...]
    m = jnp.max(logits, axis=1, keepdims=True)
    e = jnp.exp(logits - m)
    o_ref[...] = e / jnp.sum(e, axis=1, keepdims=True)


def _mlp_tc(x_emb, W1uT, W1iT, b1, W2T, b2, W3T, b3):
    B = x_emb.shape[0]
    n_out = W3T.shape[1]
    full = lambda shape: pl.BlockSpec(shape, lambda i: (0, 0))
    return pl.pallas_call(
        _mlp_body,
        grid=(B // BLK,),
        in_specs=[
            pl.BlockSpec((BLK, 128), lambda i: (i, 0)),
            full(W1uT.shape),
            full(W1iT.shape),
            full(b1.shape),
            full(W2T.shape),
            full(b2.shape),
            full(W3T.shape),
            full(b3.shape),
        ],
        out_specs=pl.BlockSpec((BLK, n_out), lambda i: (i, 0)),
        out_shape=jax.ShapeDtypeStruct((B, n_out), jnp.float32),
    )(x_emb, W1uT, W1iT, b1, W2T, b2, W3T, b3)


def kernel(user, item, user_table, item_table, W1, b1, W2, b2, W3, b3):
    B = user.shape[0]
    b_per_w = B // NW
    user_r = user.astype(jnp.int32).reshape(NW, b_per_w)
    item_r = item.astype(jnp.int32).reshape(NW, b_per_w)
    x_emb = _gather_sc(user_r, item_r, user_table, item_table, B)
    W1uT = W1[:, :EMB].T
    W1iT = W1[:, EMB:].T
    return _mlp_tc(x_emb, W1uT, W1iT, b1.reshape(1, -1),
                   W2.T, b2.reshape(1, -1), W3.T, b3.reshape(1, -1))

# --- scband reference (transcript-rebuilt; emitter-appended) ---
"""Pipeline reference for scband-classification-model-83322365542799 (READ-ONLY COPY).

The authoritative reference and input builder live on the scoring server;
editing this copy changes nothing except your own understanding.
"""

import jax, jax.numpy as jnp
import numpy as np

EMB = 32
VOCAB_U = 1000000
VOCAB_I = 1000000
B = 16384


def setup_inputs(seed: int = 0) -> dict:
    key = jax.random.key(seed)
    ks = jax.random.split(key, 10)
    user = jax.random.randint(ks[0], (B,), 0, VOCAB_U, dtype=jnp.int64 if jax.config.jax_enable_x64 else jnp.int32)
    item = jax.random.randint(ks[1], (B,), 0, VOCAB_I, dtype=jnp.int64 if jax.config.jax_enable_x64 else jnp.int32)
    user_table = jax.random.normal(ks[2], (VOCAB_U, EMB), dtype=jnp.float32) * 0.02
    item_table = jax.random.normal(ks[3], (VOCAB_I, EMB), dtype=jnp.float32) * 0.02
    W1 = jax.random.normal(ks[4], (64, EMB * 2), dtype=jnp.float32) * (1.0 / np.sqrt(EMB * 2))
    b1 = jnp.zeros((64,), dtype=jnp.float32)
    W2 = jax.random.normal(ks[5], (32, 64), dtype=jnp.float32) * (1.0 / np.sqrt(64))
    b2 = jnp.zeros((32,), dtype=jnp.float32)
    W3 = jax.random.normal(ks[6], (5, 32), dtype=jnp.float32) * (1.0 / np.sqrt(32))
    b3 = jnp.zeros((5,), dtype=jnp.float32)
    return {"user": user, "item": item, "user_table": user_table, "item_table": item_table,
            "W1": W1, "b1": b1, "W2": W2, "b2": b2, "W3": W3, "b3": b3}


def reference(user, item, user_table, item_table, W1, b1, W2, b2, W3, b3):
    u_emb = jnp.take(user_table, user, axis=0)
    i_emb = jnp.take(item_table, item, axis=0)
    x = jnp.concatenate([u_emb, i_emb], axis=1)
    x = jax.nn.relu(x @ W1.T + b1)
    x = jax.nn.relu(x @ W2.T + b2)
    x = x @ W3.T + b3
    return jax.nn.softmax(x, axis=1)

if __name__ == "__main__":
    import jax
    _d = setup_inputs()
    print(jax.jit(kernel)(*tuple(_d.values())))

</pallas_src>

<mosaic_0001>
#map = affine_map<(d0, d1) -> (0, 0)>
module attributes {stable_mosaic.version = 14 : i64} {
  func.func @gather_kernel(%arg0: i32, %arg1: i32, %arg2: memref<32x512xi32, #tpu.memory_space<hbm>>, %arg3: memref<32x512xi32, #tpu.memory_space<hbm>>, %arg4: memref<1000000x32xf32, #tpu.memory_space<hbm>>, %arg5: memref<1000000x32xf32, #tpu.memory_space<hbm>>, %arg6: memref<16384x128xf32, #tpu.memory_space<hbm>>, %arg7: memref<512xi32, #tpu.memory_space<smem>>, %arg8: memref<512xi32, #tpu.memory_space<smem>>, %arg9: memref<16x512xi32, #tpu.memory_space<vmem_shared>>, %arg10: memref<16x512xi32, #tpu.memory_space<vmem_shared>>, %arg11: memref<256x32xf32, #tpu.memory_space<vmem>>, %arg12: memref<256x32xf32, #tpu.memory_space<vmem>>, %arg13: memref<256x128xf32, #tpu.memory_space<vmem>>, %arg14: memref<!tpu.dma_semaphore, #tpu.memory_space<semaphore_mem>>, %arg15: memref<!tpu.dma_semaphore, #tpu.memory_space<semaphore_mem>>) attributes {dimension_semantics = [#tpu.dimension_semantics<core_parallel>, #tpu.dimension_semantics<subcore_parallel>], iteration_bounds = array<i64: 2, 16>, scalar_prefetch = 0 : i64, scratch_operands = 9 : i64, tpu.core_type = #tpu.core_type<sc_vector_subcore>, window_params = [{transform_indices = #map}, {transform_indices = #map}, {transform_indices = #map}, {transform_indices = #map}, {transform_indices = #map}]} {
    %mul3A = arith.constant 2 : i32
    %mul3A_0 = arith.muli %arg1, %mul3A : i32
    %add3A = arith.addi %mul3A_0, %arg0 : i32
    %mul3A_1 = arith.constant 512 : i32
    %mul3A_2 = arith.muli %add3A, %mul3A_1 : i32
    "tpu.region"() ({
      %run_scoped3A = tpu.sem_alloc : memref<!tpu.dma_semaphore, #tpu.memory_space<semaphore_mem>>
      %dma_start3A = arith.constant 0 : i32
      %dma_start3A_41 = tpu.memref_slice %arg9[%arg1, %dma_start3A] : memref<16x512xi32, #tpu.memory_space<vmem_shared>> -> memref<1x512xi32, #tpu.memory_space<vmem_shared>>
      %dma_start3A_42 = tpu.memref_squeeze %dma_start3A_41 : memref<1x512xi32, #tpu.memory_space<vmem_shared>> -> memref<512xi32, #tpu.memory_space<vmem_shared>>
      %dma_start3A_43 = arith.constant 0 : i32
      %dma_start3A_44 = tpu.memref_slice %arg2[%add3A, %dma_start3A_43] : memref<32x512xi32, #tpu.memory_space<hbm>> -> memref<1x512xi32, #tpu.memory_space<hbm>>
      %dma_start3A_45 = tpu.memref_squeeze %dma_start3A_44 : memref<1x512xi32, #tpu.memory_space<hbm>> -> memref<512xi32, #tpu.memory_space<hbm>>
      tpu.enqueue_dma source(%dma_start3A_45 : memref<512xi32, #tpu.memory_space<hbm>>) target(%dma_start3A_42 : memref<512xi32, #tpu.memory_space<vmem_shared>>) target_semaphore(%run_scoped3A : memref<!tpu.dma_semaphore, #tpu.memory_space<semaphore_mem>>)
      %dma_wait3A_46 = arith.constant 0 : i32
      %dma_wait3A_47 = tpu.memref_slice %arg9[%arg1, %dma_wait3A_46] : memref<16x512xi32, #tpu.memory_space<vmem_shared>> -> memref<1x512xi32, #tpu.memory_space<vmem_shared>>
      %dma_wait3A_48 = tpu.memref_squeeze %dma_wait3A_47 : memref<1x512xi32, #tpu.memory_space<vmem_shared>> -> memref<512xi32, #tpu.memory_space<vmem_shared>>
      %dma_wait3A_49 = arith.constant 0 : i32
      %dma_wait3A_50 = tpu.memref_slice %arg2[%add3A, %dma_wait3A_49] : memref<32x512xi32, #tpu.memory_space<hbm>> -> memref<1x512xi32, #tpu.memory_space<hbm>>
      %dma_wait3A_51 = tpu.memref_squeeze %dma_wait3A_50 : memref<1x512xi32, #tpu.memory_space<hbm>> -> memref<512xi32, #tpu.memory_space<hbm>>
      tpu.wait_dma2 semaphore(%run_scoped3A : memref<!tpu.dma_semaphore, #tpu.memory_space<semaphore_mem>>) src(%dma_wait3A_51 : memref<512xi32, #tpu.memory_space<hbm>>) dst(%dma_wait3A_48 : memref<512xi32, #tpu.memory_space<vmem_shared>>)
      tpu.yield
    }) : () -> ()
    "tpu.region"() ({
      %run_scoped3A = tpu.sem_alloc : memref<!tpu.dma_semaphore, #tpu.memory_space<semaphore_mem>>
      %dma_start3A = arith.constant 0 : i32
      %dma_start3A_41 = tpu.memref_slice %arg10[%arg1, %dma_start3A] : memref<16x512xi32, #tpu.memory_space<vmem_shared>> -> memref<1x512xi32, #tpu.memory_space<vmem_shared>>
      %dma_start3A_42 = tpu.memref_squeeze %dma_start3A_41 : memref<1x512xi32, #tpu.memory_space<vmem_shared>> -> memref<512xi32, #tpu.memory_space<vmem_shared>>
      %dma_start3A_43 = arith.constant 0 : i32
      %dma_start3A_44 = tpu.memref_slice %arg3[%add3A, %dma_start3A_43] : memref<32x512xi32, #tpu.memory_space<hbm>> -> memref<1x512xi32, #tpu.memory_space<hbm>>
      %dma_start3A_45 = tpu.memref_squeeze %dma_start3A_44 : memref<1x512xi32, #tpu.memory_space<hbm>> -> memref<512xi32, #tpu.memory_space<hbm>>
      tpu.enqueue_dma source(%dma_start3A_45 : memref<512xi32, #tpu.memory_space<hbm>>) target(%dma_start3A_42 : memref<512xi32, #tpu.memory_space<vmem_shared>>) target_semaphore(%run_scoped3A : memref<!tpu.dma_semaphore, #tpu.memory_space<semaphore_mem>>)
      %dma_wait3A_46 = arith.constant 0 : i32
      %dma_wait3A_47 = tpu.memref_slice %arg10[%arg1, %dma_wait3A_46] : memref<16x512xi32, #tpu.memory_space<vmem_shared>> -> memref<1x512xi32, #tpu.memory_space<vmem_shared>>
      %dma_wait3A_48 = tpu.memref_squeeze %dma_wait3A_47 : memref<1x512xi32, #tpu.memory_space<vmem_shared>> -> memref<512xi32, #tpu.memory_space<vmem_shared>>
      %dma_wait3A_49 = arith.constant 0 : i32
      %dma_wait3A_50 = tpu.memref_slice %arg3[%add3A, %dma_wait3A_49] : memref<32x512xi32, #tpu.memory_space<hbm>> -> memref<1x512xi32, #tpu.memory_space<hbm>>
      %dma_wait3A_51 = tpu.memref_squeeze %dma_wait3A_50 : memref<1x512xi32, #tpu.memory_space<hbm>> -> memref<512xi32, #tpu.memory_space<hbm>>
      tpu.wait_dma2 semaphore(%run_scoped3A : memref<!tpu.dma_semaphore, #tpu.memory_space<semaphore_mem>>) src(%dma_wait3A_51 : memref<512xi32, #tpu.memory_space<hbm>>) dst(%dma_wait3A_48 : memref<512xi32, #tpu.memory_space<vmem_shared>>)
      tpu.yield
    }) : () -> ()
    "tpu.region"() ({
      %run_scoped3A = tpu.sem_alloc : memref<!tpu.dma_semaphore, #tpu.memory_space<semaphore_mem>>
      %dma_start3A = arith.constant 0 : i32
      %dma_start3A_41 = tpu.memref_slice %arg9[%arg1, %dma_start3A] : memref<16x512xi32, #tpu.memory_space<vmem_shared>> -> memref<1x512xi32, #tpu.memory_space<vmem_shared>>
      %dma_start3A_42 = tpu.memref_squeeze %dma_start3A_41 : memref<1x512xi32, #tpu.memory_space<vmem_shared>> -> memref<512xi32, #tpu.memory_space<vmem_shared>>
      tpu.enqueue_dma source(%dma_start3A_42 : memref<512xi32, #tpu.memory_space<vmem_shared>>) target(%arg7 : memref<512xi32, #tpu.memory_space<smem>>) target_semaphore(%run_scoped3A : memref<!tpu.dma_semaphore, #tpu.memory_space<semaphore_mem>>)
      %dma_wait3A_43 = arith.constant 0 : i32
      %dma_wait3A_44 = tpu.memref_slice %arg9[%arg1, %dma_wait3A_43] : memref<16x512xi32, #tpu.memory_space<vmem_shared>> -> memref<1x512xi32, #tpu.memory_space<vmem_shared>>
      %dma_wait3A_45 = tpu.memref_squeeze %dma_wait3A_44 : memref<1x512xi32, #tpu.memory_space<vmem_shared>> -> memref<512xi32, #tpu.memory_space<vmem_shared>>
      tpu.wait_dma2 semaphore(%run_scoped3A : memref<!tpu.dma_semaphore, #tpu.memory_space<semaphore_mem>>) src(%dma_wait3A_45 : memref<512xi32, #tpu.memory_space<vmem_shared>>) dst(%arg7 : memref<512xi32, #tpu.memory_space<smem>>)
      tpu.yield
    }) : () -> ()
    "tpu.region"() ({
      %run_scoped3A = tpu.sem_alloc : memref<!tpu.dma_semaphore, #tpu.memory_space<semaphore_mem>>
      %dma_start3A = arith.constant 0 : i32
      %dma_start3A_41 = tpu.memref_slice %arg10[%arg1, %dma_start3A] : memref<16x512xi32, #tpu.memory_space<vmem_shared>> -> memref<1x512xi32, #tpu.memory_space<vmem_shared>>
      %dma_start3A_42 = tpu.memref_squeeze %dma_start3A_41 : memref<1x512xi32, #tpu.memory_space<vmem_shared>> -> memref<512xi32, #tpu.memory_space<vmem_shared>>
      tpu.enqueue_dma source(%dma_start3A_42 : memref<512xi32, #tpu.memory_space<vmem_shared>>) target(%arg8 : memref<512xi32, #tpu.memory_space<smem>>) target_semaphore(%run_scoped3A : memref<!tpu.dma_semaphore, #tpu.memory_space<semaphore_mem>>)
      %dma_wait3A_43 = arith.constant 0 : i32
      %dma_wait3A_44 = tpu.memref_slice %arg10[%arg1, %dma_wait3A_43] : memref<16x512xi32, #tpu.memory_space<vmem_shared>> -> memref<1x512xi32, #tpu.memory_space<vmem_shared>>
      %dma_wait3A_45 = tpu.memref_squeeze %dma_wait3A_44 : memref<1x512xi32, #tpu.memory_space<vmem_shared>> -> memref<512xi32, #tpu.memory_space<vmem_shared>>
      tpu.wait_dma2 semaphore(%run_scoped3A : memref<!tpu.dma_semaphore, #tpu.memory_space<semaphore_mem>>) src(%dma_wait3A_45 : memref<512xi32, #tpu.memory_space<vmem_shared>>) dst(%arg8 : memref<512xi32, #tpu.memory_space<smem>>)
      tpu.yield
    }) : () -> ()
    %parallel_loop3A = arith.constant 0 : i32
    %parallel_loop3A_3 = arith.constant 256 : i32
    %parallel_loop3A_4 = arith.constant 1 : i32
    scf.for %parallel_loop3A_41 = %parallel_loop3A to %parallel_loop3A_3 step %parallel_loop3A_4  : i32 {
      %parallel_loop3A_42 = arith.constant 0 : i32
      %parallel_loop3A_43 = arith.addi %parallel_loop3A_42, %parallel_loop3A_41 : i32
      %parallel_loop3A_44 = arith.index_cast %parallel_loop3A_43 : i32 to index
      %parallel_loop3A_45 = memref.load %arg7[%parallel_loop3A_44] : memref<512xi32, #tpu.memory_space<smem>>
      %parallel_loop3A_46 = arith.constant 0 : i32
      %parallel_loop3A_47 = tpu.memref_slice %arg11[%parallel_loop3A_41, %parallel_loop3A_46] : memref<256x32xf32, #tpu.memory_space<vmem>> -> memref<1x32xf32, #tpu.memory_space<vmem>>
      %parallel_loop3A_48 = arith.constant 0 : i32
      %parallel_loop3A_49 = tpu.memref_slice %arg4[%parallel_loop3A_45, %parallel_loop3A_48] : memref<1000000x32xf32, #tpu.memory_space<hbm>> -> memref<1x32xf32, #tpu.memory_space<hbm>>
      %parallel_loop3A_50 = arith.constant 0 : i32
      %parallel_loop3A_51 = tpu.memref_slice %arg11[%parallel_loop3A_41, %parallel_loop3A_50] : memref<256x32xf32, #tpu.memory_space<vmem>> -> memref<1x32xf32, #tpu.memory_space<vmem>>
      %parallel_loop3A_52 = arith.constant 0 : i32
      %parallel_loop3A_53 = tpu.memref_slice %arg4[%parallel_loop3A_45, %parallel_loop3A_52] : memref<1000000x32xf32, #tpu.memory_space<hbm>> -> memref<1x32xf32, #tpu.memory_space<hbm>>
      tpu.enqueue_dma source(%parallel_loop3A_53 : memref<1x32xf32, #tpu.memory_space<hbm>>) target(%parallel_loop3A_51 : memref<1x32xf32, #tpu.memory_space<vmem>>) target_semaphore(%arg14 : memref<!tpu.dma_semaphore, #tpu.memory_space<semaphore_mem>>)
      %parallel_loop3A_54 = arith.constant 0 : i32
      %parallel_loop3A_55 = arith.addi %parallel_loop3A_54, %parallel_loop3A_41 : i32
      %parallel_loop3A_56 = arith.index_cast %parallel_loop3A_55 : i32 to index
      %parallel_loop3A_57 = memref.load %arg8[%parallel_loop3A_56] : memref<512xi32, #tpu.memory_space<smem>>
      %parallel_loop3A_58 = arith.constant 0 : i32
      %parallel_loop3A_59 = tpu.memref_slice %arg12[%parallel_loop3A_41, %parallel_loop3A_58] : memref<256x32xf32, #tpu.memory_space<vmem>> -> memref<1x32xf32, #tpu.memory_space<vmem>>
      %parallel_loop3A_60 = arith.constant 0 : i32
      %parallel_loop3A_61 = tpu.memref_slice %arg5[%parallel_loop3A_57, %parallel_loop3A_60] : memref<1000000x32xf32, #tpu.memory_space<hbm>> -> memref<1x32xf32, #tpu.memory_space<hbm>>
      %parallel_loop3A_62 = arith.constant 0 : i32
      %parallel_loop3A_63 = tpu.memref_slice %arg12[%parallel_loop3A_41, %parallel_loop3A_62] : memref<256x32xf32, #tpu.memory_space<vmem>> -> memref<1x32xf32, #tpu.memory_space<vmem>>
      %parallel_loop3A_64 = arith.constant 0 : i32
      %parallel_loop3A_65 = tpu.memref_slice %arg5[%parallel_loop3A_57, %parallel_loop3A_64] : memref<1000000x32xf32, #tpu.memory_space<hbm>> -> memref<1x32xf32, #tpu.memory_space<hbm>>
      tpu.enqueue_dma source(%parallel_loop3A_65 : memref<1x32xf32, #tpu.memory_space<hbm>>) target(%parallel_loop3A_63 : memref<1x32xf32, #tpu.memory_space<vmem>>) target_semaphore(%arg15 : memref<!tpu.dma_semaphore, #tpu.memory_space<semaphore_mem>>)
    } {sc.loop_unroll_factor = 8 : i64, sc.parallel_access}
    %dma_wait3A = arith.constant 0 : i32
    %dma_wait3A_5 = arith.constant 0 : i32
    %dma_wait3A_6 = tpu.memref_slice %arg4[%dma_wait3A, %dma_wait3A_5] : memref<1000000x32xf32, #tpu.memory_space<hbm>> -> memref<256x32xf32, #tpu.memory_space<hbm>>
    %dma_wait3A_7 = arith.constant 0 : i32
    %dma_wait3A_8 = arith.constant 0 : i32
    %dma_wait3A_9 = tpu.memref_slice %arg4[%dma_wait3A_7, %dma_wait3A_8] : memref<1000000x32xf32, #tpu.memory_space<hbm>> -> memref<256x32xf32, #tpu.memory_space<hbm>>
    tpu.wait_dma2 semaphore(%arg14 : memref<!tpu.dma_semaphore, #tpu.memory_space<semaphore_mem>>) src(%dma_wait3A_9 : memref<256x32xf32, #tpu.memory_space<hbm>>) dst(%arg11 : memref<256x32xf32, #tpu.memory_space<vmem>>)
    %dma_wait3A_10 = arith.constant 0 : i32
    %dma_wait3A_11 = arith.constant 0 : i32
    %dma_wait3A_12 = tpu.memref_slice %arg5[%dma_wait3A_10, %dma_wait3A_11] : memref<1000000x32xf32, #tpu.memory_space<hbm>> -> memref<256x32xf32, #tpu.memory_space<hbm>>
    %dma_wait3A_13 = arith.constant 0 : i32
    %dma_wait3A_14 = arith.constant 0 : i32
    %dma_wait3A_15 = tpu.memref_slice %arg5[%dma_wait3A_13, %dma_wait3A_14] : memref<1000000x32xf32, #tpu.memory_space<hbm>> -> memref<256x32xf32, #tpu.memory_space<hbm>>
    tpu.wait_dma2 semaphore(%arg15 : memref<!tpu.dma_semaphore, #tpu.memory_space<semaphore_mem>>) src(%dma_wait3A_15 : memref<256x32xf32, #tpu.memory_space<hbm>>) dst(%arg12 : memref<256x32xf32, #tpu.memory_space<vmem>>)
    %parallel_loop3A_16 = arith.constant 0 : i32
    %parallel_loop3A_17 = arith.constant 256 : i32
    %parallel_loop3A_18 = arith.constant 1 : i32
    scf.for %parallel_loop3A_41 = %parallel_loop3A_16 to %parallel_loop3A_17 step %parallel_loop3A_18  : i32 {
      %parallel_loop3A_42 = arith.index_cast %parallel_loop3A_41 : i32 to index
      %parallel_loop3A_43 = arith.constant 0 : index
      %parallel_loop3A_44 = tpu.vector_load %arg11[%parallel_loop3A_42, %parallel_loop3A_43] {strides = array<i32>} : memref<256x32xf32, #tpu.memory_space<vmem>>, vector<1x16xf32>,
      %parallel_loop3A_45 = vector.shape_cast %parallel_loop3A_44 : vector<1x16xf32> to vector<1x16xf32>
      %parallel_loop3A_46 = arith.index_cast %parallel_loop3A_41 : i32 to index
      %parallel_loop3A_47 = arith.constant 0 : index
      %parallel_loop3A_48 = tpu.vector_load %arg13[%parallel_loop3A_46, %parallel_loop3A_47] {strides = array<i32>} : memref<256x128xf32, #tpu.memory_space<vmem>>, vector<1x16xf32>,
      %parallel_loop3A_49 = vector.shape_cast %parallel_loop3A_48 : vector<1x16xf32> to vector<1x16xf32>
      %parallel_loop3A_50 = vector.shape_cast %parallel_loop3A_45 : vector<1x16xf32> to vector<1x16xf32>
      tpu.vector_store %arg13[%parallel_loop3A_46, %parallel_loop3A_47], %parallel_loop3A_50 {strides = array<i32>} : memref<256x128xf32, #tpu.memory_space<vmem>>, vector<1x16xf32>,
      %parallel_loop3A_51 = arith.index_cast %parallel_loop3A_41 : i32 to index
      %parallel_loop3A_52 = arith.constant 0 : index
      %parallel_loop3A_53 = tpu.vector_load %arg12[%parallel_loop3A_51, %parallel_loop3A_52] {strides = array<i32>} : memref<256x32xf32, #tpu.memory_space<vmem>>, vector<1x16xf32>,
      %parallel_loop3A_54 = vector.shape_cast %parallel_loop3A_53 : vector<1x16xf32> to vector<1x16xf32>
      %parallel_loop3A_55 = arith.index_cast %parallel_loop3A_41 : i32 to index
      %parallel_loop3A_56 = arith.constant 32 : index
      %parallel_loop3A_57 = tpu.vector_load %arg13[%parallel_loop3A_55, %parallel_loop3A_56] {strides = array<i32>} : memref<256x128xf32, #tpu.memory_space<vmem>>, vector<1x16xf32>,
      %parallel_loop3A_58 = vector.shape_cast %parallel_loop3A_57 : vector<1x16xf32> to vector<1x16xf32>
      %parallel_loop3A_59 = vector.shape_cast %parallel_loop3A_54 : vector<1x16xf32> to vector<1x16xf32>
      tpu.vector_store %arg13[%parallel_loop3A_55, %parallel_loop3A_56], %parallel_loop3A_59 {strides = array<i32>} : memref<256x128xf32, #tpu.memory_space<vmem>>, vector<1x16xf32>,
      %parallel_loop3A_60 = arith.index_cast %parallel_loop3A_41 : i32 to index
      %parallel_loop3A_61 = arith.constant 16 : index
      %parallel_loop3A_62 = tpu.vector_load %arg11[%parallel_loop3A_60, %parallel_loop3A_61] {strides = array<i32>} : memref<256x32xf32, #tpu.memory_space<vmem>>, vector<1x16xf32>,
      %parallel_loop3A_63 = vector.shape_cast %parallel_loop3A_62 : vector<1x16xf32> to vector<1x16xf32>
      %parallel_loop3A_64 = arith.index_cast %parallel_loop3A_41 : i32 to index
      %parallel_loop3A_65 = arith.constant 16 : index
      %parallel_loop3A_66 = tpu.vector_load %arg13[%parallel_loop3A_64, %parallel_loop3A_65] {strides = array<i32>} : memref<256x128xf32, #tpu.memory_space<vmem>>, vector<1x16xf32>,
      %parallel_loop3A_67 = vector.shape_cast %parallel_loop3A_66 : vector<1x16xf32> to vector<1x16xf32>
      %parallel_loop3A_68 = vector.shape_cast %parallel_loop3A_63 : vector<1x16xf32> to vector<1x16xf32>
      tpu.vector_store %arg13[%parallel_loop3A_64, %parallel_loop3A_65], %parallel_loop3A_68 {strides = array<i32>} : memref<256x128xf32, #tpu.memory_space<vmem>>, vector<1x16xf32>,
      %parallel_loop3A_69 = arith.index_cast %parallel_loop3A_41 : i32 to index
      %parallel_loop3A_70 = arith.constant 16 : index
      %parallel_loop3A_71 = tpu.vector_load %arg12[%parallel_loop3A_69, %parallel_loop3A_70] {strides = array<i32>} : memref<256x32xf32, #tpu.memory_space<vmem>>, vector<1x16xf32>,
      %parallel_loop3A_72 = vector.shape_cast %parallel_loop3A_71 : vector<1x16xf32> to vector<1x16xf32>
      %parallel_loop3A_73 = arith.index_cast %parallel_loop3A_41 : i32 to index
      %parallel_loop3A_74 = arith.constant 48 : index
      %parallel_loop3A_75 = tpu.vector_load %arg13[%parallel_loop3A_73, %parallel_loop3A_74] {strides = array<i32>} : memref<256x128xf32, #tpu.memory_space<vmem>>, vector<1x16xf32>,
      %parallel_loop3A_76 = vector.shape_cast %parallel_loop3A_75 : vector<1x16xf32> to vector<1x16xf32>
      %parallel_loop3A_77 = vector.shape_cast %parallel_loop3A_72 : vector<1x16xf32> to vector<1x16xf32>
      tpu.vector_store %arg13[%parallel_loop3A_73, %parallel_loop3A_74], %parallel_loop3A_77 {strides = array<i32>} : memref<256x128xf32, #tpu.memory_space<vmem>>, vector<1x16xf32>,
    } {sc.loop_unroll_factor = 4 : i64, sc.parallel_access}
    %add3A_19 = arith.constant 0 : i32
    %add3A_20 = arith.addi %mul3A_2, %add3A_19 : i32
    "tpu.region"() ({
      %run_scoped3A = tpu.sem_alloc : memref<!tpu.dma_semaphore, #tpu.memory_space<semaphore_mem>>
      %dma_start3A = arith.constant 0 : i32
      %dma_start3A_41 = tpu.memref_slice %arg6[%add3A_20, %dma_start3A] : memref<16384x128xf32, #tpu.memory_space<hbm>> -> memref<256x128xf32, #tpu.memory_space<hbm>>
      %dma_start3A_42 = arith.constant 0 : i32
      %dma_start3A_43 = tpu.memref_slice %arg6[%add3A_20, %dma_start3A_42] : memref<16384x128xf32, #tpu.memory_space<hbm>> -> memref<256x128xf32, #tpu.memory_space<hbm>>
      tpu.enqueue_dma source(%arg13 : memref<256x128xf32, #tpu.memory_space<vmem>>) target(%dma_start3A_43 : memref<256x128xf32, #tpu.memory_space<hbm>>) target_semaphore(%run_scoped3A : memref<!tpu.dma_semaphore, #tpu.memory_space<semaphore_mem>>)
      %dma_wait3A_44 = arith.constant 0 : i32
      %dma_wait3A_45 = tpu.memref_slice %arg6[%add3A_20, %dma_wait3A_44] : memref<16384x128xf32, #tpu.memory_space<hbm>> -> memref<256x128xf32, #tpu.memory_space<hbm>>
      %dma_wait3A_46 = arith.constant 0 : i32
      %dma_wait3A_47 = tpu.memref_slice %arg6[%add3A_20, %dma_wait3A_46] : memref<16384x128xf32, #tpu.memory_space<hbm>> -> memref<256x128xf32, #tpu.memory_space<hbm>>
      tpu.wait_dma2 semaphore(%run_scoped3A : memref<!tpu.dma_semaphore, #tpu.memory_space<semaphore_mem>>) src(%arg13 : memref<256x128xf32, #tpu.memory_space<vmem>>) dst(%dma_wait3A_47 : memref<256x128xf32, #tpu.memory_space<hbm>>)
      tpu.yield
    }) : () -> ()
    %parallel_loop3A_21 = arith.constant 0 : i32
    %parallel_loop3A_22 = arith.constant 256 : i32
    %parallel_loop3A_23 = arith.constant 1 : i32
    scf.for %parallel_loop3A_41 = %parallel_loop3A_21 to %parallel_loop3A_22 step %parallel_loop3A_23  : i32 {
      %parallel_loop3A_42 = arith.constant 256 : i32
      %parallel_loop3A_43 = arith.addi %parallel_loop3A_42, %parallel_loop3A_41 : i32
      %parallel_loop3A_44 = arith.index_cast %parallel_loop3A_43 : i32 to index
      %parallel_loop3A_45 = memref.load %arg7[%parallel_loop3A_44] : memref<512xi32, #tpu.memory_space<smem>>
      %parallel_loop3A_46 = arith.constant 0 : i32
      %parallel_loop3A_47 = tpu.memref_slice %arg11[%parallel_loop3A_41, %parallel_loop3A_46] : memref<256x32xf32, #tpu.memory_space<vmem>> -> memref<1x32xf32, #tpu.memory_space<vmem>>
      %parallel_loop3A_48 = arith.constant 0 : i32
      %parallel_loop3A_49 = tpu.memref_slice %arg4[%parallel_loop3A_45, %parallel_loop3A_48] : memref<1000000x32xf32, #tpu.memory_space<hbm>> -> memref<1x32xf32, #tpu.memory_space<hbm>>
      %parallel_loop3A_50 = arith.constant 0 : i32
      %parallel_loop3A_51 = tpu.memref_slice %arg11[%parallel_loop3A_41, %parallel_loop3A_50] : memref<256x32xf32, #tpu.memory_space<vmem>> -> memref<1x32xf32, #tpu.memory_space<vmem>>
      %parallel_loop3A_52 = arith.constant 0 : i32
      %parallel_loop3A_53 = tpu.memref_slice %arg4[%parallel_loop3A_45, %parallel_loop3A_52] : memref<1000000x32xf32, #tpu.memory_space<hbm>> -> memref<1x32xf32, #tpu.memory_space<hbm>>
      tpu.enqueue_dma source(%parallel_loop3A_53 : memref<1x32xf32, #tpu.memory_space<hbm>>) target(%parallel_loop3A_51 : memref<1x32xf32, #tpu.memory_space<vmem>>) target_semaphore(%arg14 : memref<!tpu.dma_semaphore, #tpu.memory_space<semaphore_mem>>)
      %parallel_loop3A_54 = arith.constant 256 : i32
      %parallel_loop3A_55 = arith.addi %parallel_loop3A_54, %parallel_loop3A_41 : i32
      %parallel_loop3A_56 = arith.index_cast %parallel_loop3A_55 : i32 to index
      %parallel_loop3A_57 = memref.load %arg8[%parallel_loop3A_56] : memref<512xi32, #tpu.memory_space<smem>>
      %parallel_loop3A_58 = arith.constant 0 : i32
      %parallel_loop3A_59 = tpu.memref_slice %arg12[%parallel_loop3A_41, %parallel_loop3A_58] : memref<256x32xf32, #tpu.memory_space<vmem>> -> memref<1x32xf32, #tpu.memory_space<vmem>>
      %parallel_loop3A_60 = arith.constant 0 : i32
      %parallel_loop3A_61 = tpu.memref_slice %arg5[%parallel_loop3A_57, %parallel_loop3A_60] : memref<1000000x32xf32, #tpu.memory_space<hbm>> -> memref<1x32xf32, #tpu.memory_space<hbm>>
      %parallel_loop3A_62 = arith.constant 0 : i32
      %parallel_loop3A_63 = tpu.memref_slice %arg12[%parallel_loop3A_41, %parallel_loop3A_62] : memref<256x32xf32, #tpu.memory_space<vmem>> -> memref<1x32xf32, #tpu.memory_space<vmem>>
      %parallel_loop3A_64 = arith.constant 0 : i32
      %parallel_loop3A_65 = tpu.memref_slice %arg5[%parallel_loop3A_57, %parallel_loop3A_64] : memref<1000000x32xf32, #tpu.memory_space<hbm>> -> memref<1x32xf32, #tpu.memory_space<hbm>>
      tpu.enqueue_dma source(%parallel_loop3A_65 : memref<1x32xf32, #tpu.memory_space<hbm>>) target(%parallel_loop3A_63 : memref<1x32xf32, #tpu.memory_space<vmem>>) target_semaphore(%arg15 : memref<!tpu.dma_semaphore, #tpu.memory_space<semaphore_mem>>)
    } {sc.loop_unroll_factor = 8 : i64, sc.parallel_access}
    %dma_wait3A_24 = arith.constant 0 : i32
    %dma_wait3A_25 = arith.constant 0 : i32
    %dma_wait3A_26 = tpu.memref_slice %arg4[%dma_wait3A_24, %dma_wait3A_25] : memref<1000000x32xf32, #tpu.memory_space<hbm>> -> memref<256x32xf32, #tpu.memory_space<hbm>>
    %dma_wait3A_27 = arith.constant 0 : i32
    %dma_wait3A_28 = arith.constant 0 : i32
    %dma_wait3A_29 = tpu.memref_slice %arg4[%dma_wait3A_27, %dma_wait3A_28] : memref<1000000x32xf32, #tpu.memory_space<hbm>> -> memref<256x32xf32, #tpu.memory_space<hbm>>
    tpu.wait_dma2 semaphore(%arg14 : memref<!tpu.dma_semaphore, #tpu.memory_space<semaphore_mem>>) src(%dma_wait3A_29 : memref<256x32xf32, #tpu.memory_space<hbm>>) dst(%arg11 : memref<256x32xf32, #tpu.memory_space<vmem>>)
    %dma_wait3A_30 = arith.constant 0 : i32
    %dma_wait3A_31 = arith.constant 0 : i32
    %dma_wait3A_32 = tpu.memref_slice %arg5[%dma_wait3A_30, %dma_wait3A_31] : memref<1000000x32xf32, #tpu.memory_space<hbm>> -> memref<256x32xf32, #tpu.memory_space<hbm>>
    %dma_wait3A_33 = arith.constant 0 : i32
    %dma_wait3A_34 = arith.constant 0 : i32
    %dma_wait3A_35 = tpu.memref_slice %arg5[%dma_wait3A_33, %dma_wait3A_34] : memref<1000000x32xf32, #tpu.memory_space<hbm>> -> memref<256x32xf32, #tpu.memory_space<hbm>>
    tpu.wait_dma2 semaphore(%arg15 : memref<!tpu.dma_semaphore, #tpu.memory_space<semaphore_mem>>) src(%dma_wait3A_35 : memref<256x32xf32, #tpu.memory_space<hbm>>) dst(%arg12 : memref<256x32xf32, #tpu.memory_space<vmem>>)
    %parallel_loop3A_36 = arith.constant 0 : i32
    %parallel_loop3A_37 = arith.constant 256 : i32
    %parallel_loop3A_38 = arith.constant 1 : i32
    scf.for %parallel_loop3A_41 = %parallel_loop3A_36 to %parallel_loop3A_37 step %parallel_loop3A_38  : i32 {
      %parallel_loop3A_42 = arith.index_cast %parallel_loop3A_41 : i32 to index
      %parallel_loop3A_43 = arith.constant 0 : index
      %parallel_loop3A_44 = tpu.vector_load %arg11[%parallel_loop3A_42, %parallel_loop3A_43] {strides = array<i32>} : memref<256x32xf32, #tpu.memory_space<vmem>>, vector<1x16xf32>,
      %parallel_loop3A_45 = vector.shape_cast %parallel_loop3A_44 : vector<1x16xf32> to vector<1x16xf32>
      %parallel_loop3A_46 = arith.index_cast %parallel_loop3A_41 : i32 to index
      %parallel_loop3A_47 = arith.constant 0 : index
      %parallel_loop3A_48 = tpu.vector_load %arg13[%parallel_loop3A_46, %parallel_loop3A_47] {strides = array<i32>} : memref<256x128xf32, #tpu.memory_space<vmem>>, vector<1x16xf32>,
      %parallel_loop3A_49 = vector.shape_cast %parallel_loop3A_48 : vector<1x16xf32> to vector<1x16xf32>
      %parallel_loop3A_50 = vector.shape_cast %parallel_loop3A_45 : vector<1x16xf32> to vector<1x16xf32>
      tpu.vector_store %arg13[%parallel_loop3A_46, %parallel_loop3A_47], %parallel_loop3A_50 {strides = array<i32>} : memref<256x128xf32, #tpu.memory_space<vmem>>, vector<1x16xf32>,
      %parallel_loop3A_51 = arith.index_cast %parallel_loop3A_41 : i32 to index
      %parallel_loop3A_52 = arith.constant 0 : index
      %parallel_loop3A_53 = tpu.vector_load %arg12[%parallel_loop3A_51, %parallel_loop3A_52] {strides = array<i32>} : memref<256x32xf32, #tpu.memory_space<vmem>>, vector<1x16xf32>,
      %parallel_loop3A_54 = vector.shape_cast %parallel_loop3A_53 : vector<1x16xf32> to vector<1x16xf32>
      %parallel_loop3A_55 = arith.index_cast %parallel_loop3A_41 : i32 to index
      %parallel_loop3A_56 = arith.constant 32 : index
      %parallel_loop3A_57 = tpu.vector_load %arg13[%parallel_loop3A_55, %parallel_loop3A_56] {strides = array<i32>} : memref<256x128xf32, #tpu.memory_space<vmem>>, vector<1x16xf32>,
      %parallel_loop3A_58 = vector.shape_cast %parallel_loop3A_57 : vector<1x16xf32> to vector<1x16xf32>
      %parallel_loop3A_59 = vector.shape_cast %parallel_loop3A_54 : vector<1x16xf32> to vector<1x16xf32>
      tpu.vector_store %arg13[%parallel_loop3A_55, %parallel_loop3A_56], %parallel_loop3A_59 {strides = array<i32>} : memref<256x128xf32, #tpu.memory_space<vmem>>, vector<1x16xf32>,
      %parallel_loop3A_60 = arith.index_cast %parallel_loop3A_41 : i32 to index
      %parallel_loop3A_61 = arith.constant 16 : index
      %parallel_loop3A_62 = tpu.vector_load %arg11[%parallel_loop3A_60, %parallel_loop3A_61] {strides = array<i32>} : memref<256x32xf32, #tpu.memory_space<vmem>>, vector<1x16xf32>,
      %parallel_loop3A_63 = vector.shape_cast %parallel_loop3A_62 : vector<1x16xf32> to vector<1x16xf32>
      %parallel_loop3A_64 = arith.index_cast %parallel_loop3A_41 : i32 to index
      %parallel_loop3A_65 = arith.constant 16 : index
      %parallel_loop3A_66 = tpu.vector_load %arg13[%parallel_loop3A_64, %parallel_loop3A_65] {strides = array<i32>} : memref<256x128xf32, #tpu.memory_space<vmem>>, vector<1x16xf32>,
      %parallel_loop3A_67 = vector.shape_cast %parallel_loop3A_66 : vector<1x16xf32> to vector<1x16xf32>
      %parallel_loop3A_68 = vector.shape_cast %parallel_loop3A_63 : vector<1x16xf32> to vector<1x16xf32>
      tpu.vector_store %arg13[%parallel_loop3A_64, %parallel_loop3A_65], %parallel_loop3A_68 {strides = array<i32>} : memref<256x128xf32, #tpu.memory_space<vmem>>, vector<1x16xf32>,
      %parallel_loop3A_69 = arith.index_cast %parallel_loop3A_41 : i32 to index
      %parallel_loop3A_70 = arith.constant 16 : index
      %parallel_loop3A_71 = tpu.vector_load %arg12[%parallel_loop3A_69, %parallel_loop3A_70] {strides = array<i32>} : memref<256x32xf32, #tpu.memory_space<vmem>>, vector<1x16xf32>,
      %parallel_loop3A_72 = vector.shape_cast %parallel_loop3A_71 : vector<1x16xf32> to vector<1x16xf32>
      %parallel_loop3A_73 = arith.index_cast %parallel_loop3A_41 : i32 to index
      %parallel_loop3A_74 = arith.constant 48 : index
      %parallel_loop3A_75 = tpu.vector_load %arg13[%parallel_loop3A_73, %parallel_loop3A_74] {strides = array<i32>} : memref<256x128xf32, #tpu.memory_space<vmem>>, vector<1x16xf32>,
      %parallel_loop3A_76 = vector.shape_cast %parallel_loop3A_75 : vector<1x16xf32> to vector<1x16xf32>
      %parallel_loop3A_77 = vector.shape_cast %parallel_loop3A_72 : vector<1x16xf32> to vector<1x16xf32>
      tpu.vector_store %arg13[%parallel_loop3A_73, %parallel_loop3A_74], %parallel_loop3A_77 {strides = array<i32>} : memref<256x128xf32, #tpu.memory_space<vmem>>, vector<1x16xf32>,
    } {sc.loop_unroll_factor = 4 : i64, sc.parallel_access}
    %add3A_39 = arith.constant 256 : i32
    %add3A_40 = arith.addi %mul3A_2, %add3A_39 : i32
    "tpu.region"() ({
      %run_scoped3A = tpu.sem_alloc : memref<!tpu.dma_semaphore, #tpu.memory_space<semaphore_mem>>
      %dma_start3A = arith.constant 0 : i32
      %dma_start3A_41 = tpu.memref_slice %arg6[%add3A_40, %dma_start3A] : memref<16384x128xf32, #tpu.memory_space<hbm>> -> memref<256x128xf32, #tpu.memory_space<hbm>>
      %dma_start3A_42 = arith.constant 0 : i32
      %dma_start3A_43 = tpu.memref_slice %arg6[%add3A_40, %dma_start3A_42] : memref<16384x128xf32, #tpu.memory_space<hbm>> -> memref<256x128xf32, #tpu.memory_space<hbm>>
      tpu.enqueue_dma source(%arg13 : memref<256x128xf32, #tpu.memory_space<vmem>>) target(%dma_start3A_43 : memref<256x128xf32, #tpu.memory_space<hbm>>) target_semaphore(%run_scoped3A : memref<!tpu.dma_semaphore, #tpu.memory_space<semaphore_mem>>)
      %dma_wait3A_44 = arith.constant 0 : i32
      %dma_wait3A_45 = tpu.memref_slice %arg6[%add3A_40, %dma_wait3A_44] : memref<16384x128xf32, #tpu.memory_space<hbm>> -> memref<256x128xf32, #tpu.memory_space<hbm>>
      %dma_wait3A_46 = arith.constant 0 : i32
      %dma_wait3A_47 = tpu.memref_slice %arg6[%add3A_40, %dma_wait3A_46] : memref<16384x128xf32, #tpu.memory_space<hbm>> -> memref<256x128xf32, #tpu.memory_space<hbm>>
      tpu.wait_dma2 semaphore(%run_scoped3A : memref<!tpu.dma_semaphore, #tpu.memory_space<semaphore_mem>>) src(%arg13 : memref<256x128xf32, #tpu.memory_space<vmem>>) dst(%dma_wait3A_47 : memref<256x128xf32, #tpu.memory_space<hbm>>)
      tpu.yield
    }) : () -> ()
    return
  }
}

module attributes {stable_mosaic.version = 14 : i64} {
  func.func @_mlp_body(%arg0: i32, %arg1: memref<2048x128xf32, #tpu.memory_space<vmem>>, %arg2: memref<32x64xf32, #tpu.memory_space<vmem>>, %arg3: memref<32x64xf32, #tpu.memory_space<vmem>>, %arg4: memref<1x64xf32, #tpu.memory_space<vmem>>, %arg5: memref<64x32xf32, #tpu.memory_space<vmem>>, %arg6: memref<1x32xf32, #tpu.memory_space<vmem>>, %arg7: memref<32x5xf32, #tpu.memory_space<vmem>>, %arg8: memref<1x5xf32, #tpu.memory_space<vmem>>, %arg9: memref<2048x5xf32, #tpu.memory_space<vmem>>) attributes {dimension_semantics = [#tpu.dimension_semantics<arbitrary>], iteration_bounds = array<i64: 8>, scalar_prefetch = 0 : i64, scratch_operands = 0 : i64, tpu.core_type = #tpu.core_type<tc>, window_params = [{transform_indices = @transform_0, window_bounds = array<i64: 2048, 128>}, {pipeline_mode = #tpu.pipeline_mode<synchronous>, transform_indices = @transform_1, window_bounds = array<i64: 32, 64>}, {pipeline_mode = #tpu.pipeline_mode<synchronous>, transform_indices = @transform_2, window_bounds = array<i64: 32, 64>}, {pipeline_mode = #tpu.pipeline_mode<synchronous>, transform_indices = @transform_3, window_bounds = array<i64: 1, 64>}, {pipeline_mode = #tpu.pipeline_mode<synchronous>, transform_indices = @transform_4, window_bounds = array<i64: 64, 32>}, {pipeline_mode = #tpu.pipeline_mode<synchronous>, transform_indices = @transform_5, window_bounds = array<i64: 1, 32>}, {pipeline_mode = #tpu.pipeline_mode<synchronous>, transform_indices = @transform_6, window_bounds = array<i64: 32, 5>}, {pipeline_mode = #tpu.pipeline_mode<synchronous>, transform_indices = @transform_7, window_bounds = array<i64: 1, 5>}, {transform_indices = @transform_8, window_bounds = array<i64: 2048, 5>}]} {
    %get3A = arith.constant 0 : index
    %get3A_0 = arith.constant 0 : index
    %get3A_1 = vector.load %arg1[%get3A, %get3A_0] : memref<2048x128xf32, #tpu.memory_space<vmem>>, vector<2048x32xf32>
    %get3A_2 = arith.constant 0 : index
    %get3A_3 = arith.constant 32 : index
    %get3A_4 = vector.load %arg1[%get3A_2, %get3A_3] : memref<2048x128xf32, #tpu.memory_space<vmem>>, vector<2048x32xf32>
    %get3A_5 = arith.constant 0 : index
    %get3A_6 = arith.constant 0 : index
    %get3A_7 = vector.load %arg2[%get3A_5, %get3A_6] : memref<32x64xf32, #tpu.memory_space<vmem>>, vector<32x64xf32>
    %dot_general3A = arith.constant dense<0.000000e+00> : vector<2048x64xf32>
    %dot_general3A_8 = tpu.matmul %get3A_1, %get3A_7, %dot_general3A {dimension_numbers = #tpu.dot_dimension_numbers<[1], [0], [0], [1], [0, 0, 1, 1], [], []>, transpose_lhs_hint = false} : vector<2048x32xf32>, vector<32x64xf32>, vector<2048x64xf32> -> vector<2048x64xf32>
    %get3A_9 = arith.constant 0 : index
    %get3A_10 = arith.constant 0 : index
    %get3A_11 = vector.load %arg3[%get3A_9, %get3A_10] : memref<32x64xf32, #tpu.memory_space<vmem>>, vector<32x64xf32>
    %dot_general3A_12 = arith.constant dense<0.000000e+00> : vector<2048x64xf32>
    %dot_general3A_13 = tpu.matmul %get3A_4, %get3A_11, %dot_general3A_12 {dimension_numbers = #tpu.dot_dimension_numbers<[1], [0], [0], [1], [0, 0, 1, 1], [], []>, transpose_lhs_hint = false} : vector<2048x32xf32>, vector<32x64xf32>, vector<2048x64xf32> -> vector<2048x64xf32>
    %add3A = arith.addf %dot_general3A_8, %dot_general3A_13 : vector<2048x64xf32>
    %get3A_14 = arith.constant 0 : index
    %get3A_15 = arith.constant 0 : index
    %get3A_16 = vector.load %arg4[%get3A_14, %get3A_15] : memref<1x64xf32, #tpu.memory_space<vmem>>, vector<1x64xf32>
    %add3A_17 = vector.broadcast %get3A_16 : vector<1x64xf32> to vector<2048x64xf32>
    %add3A_18 = arith.addf %add3A, %add3A_17 : vector<2048x64xf32>
    %max3A = arith.constant 0.000000e+00 : f32
    %max3A_19 = vector.broadcast %max3A : f32 to vector<2048x64xf32>
    %max3A_20 = arith.maximumf %add3A_18, %max3A_19 : vector<2048x64xf32>
    %get3A_21 = arith.constant 0 : index
    %get3A_22 = arith.constant 0 : index
    %get3A_23 = vector.load %arg5[%get3A_21, %get3A_22] : memref<64x32xf32, #tpu.memory_space<vmem>>, vector<64x32xf32>
    %dot_general3A_24 = arith.constant dense<0.000000e+00> : vector<2048x32xf32>
    %dot_general3A_25 = tpu.matmul %max3A_20, %get3A_23, %dot_general3A_24 {dimension_numbers = #tpu.dot_dimension_numbers<[1], [0], [0], [1], [0, 0, 1, 1], [], []>, transpose_lhs_hint = false} : vector<2048x64xf32>, vector<64x32xf32>, vector<2048x32xf32> -> vector<2048x32xf32>
    %get3A_26 = arith.constant 0 : index
    %get3A_27 = arith.constant 0 : index
    %get3A_28 = vector.load %arg6[%get3A_26, %get3A_27] : memref<1x32xf32, #tpu.memory_space<vmem>>, vector<1x32xf32>
    %add3A_29 = vector.broadcast %get3A_28 : vector<1x32xf32> to vector<2048x32xf32>
    %add3A_30 = arith.addf %dot_general3A_25, %add3A_29 : vector<2048x32xf32>
    %max3A_31 = arith.constant 0.000000e+00 : f32
    %max3A_32 = vector.broadcast %max3A_31 : f32 to vector<2048x32xf32>
    %max3A_33 = arith.maximumf %add3A_30, %max3A_32 : vector<2048x32xf32>
    %get3A_34 = arith.constant 0 : index
    %get3A_35 = arith.constant 0 : index
    %get3A_36 = vector.load %arg7[%get3A_34, %get3A_35] : memref<32x5xf32, #tpu.memory_space<vmem>>, vector<32x5xf32>
    %dot_general3A_37 = arith.constant dense<0.000000e+00> : vector<2048x5xf32>
    %dot_general3A_38 = tpu.matmul %max3A_33, %get3A_36, %dot_general3A_37 {dimension_numbers = #tpu.dot_dimension_numbers<[1], [0], [0], [1], [0, 0, 1, 1], [], []>, transpose_lhs_hint = false} : vector<2048x32xf32>, vector<32x5xf32>, vector<2048x5xf32> -> vector<2048x5xf32>
    %get3A_39 = arith.constant 0 : index
    %get3A_40 = arith.constant 0 : index
    %get3A_41 = vector.load %arg8[%get3A_39, %get3A_40] : memref<1x5xf32, #tpu.memory_space<vmem>>, vector<1x5xf32>
    %add3A_42 = vector.broadcast %get3A_41 : vector<1x5xf32> to vector<2048x5xf32>
    %add3A_43 = arith.addf %dot_general3A_38, %add3A_42 : vector<2048x5xf32>
    %reduce_max3A = arith.constant dense<0xFF800000> : vector<2048xf32>
    %reduce_max3A_44 = vector.multi_reduction <maximumf>, %add3A_43, %reduce_max3A [1] : vector<2048x5xf32> to vector<2048xf32>
    %broadcast_in_dim3A = vector.shape_cast %reduce_max3A_44 : vector<2048xf32> to vector<2048x1xf32>
    %sub3A = vector.broadcast %broadcast_in_dim3A : vector<2048x1xf32> to vector<2048x5xf32>
    %sub3A_45 = arith.subf %add3A_43, %sub3A : vector<2048x5xf32>
    %exp3A = math.exp %sub3A_45 : vector<2048x5xf32>
    %reduce_sum3A = arith.constant dense<0.000000e+00> : vector<2048xf32>
    %reduce_sum3A_46 = vector.multi_reduction <add>, %exp3A, %reduce_sum3A [1] : vector<2048x5xf32> to vector<2048xf32>
    %broadcast_in_dim3A_47 = vector.shape_cast %reduce_sum3A_46 : vector<2048xf32> to vector<2048x1xf32>
    %div3A = vector.broadcast %broadcast_in_dim3A_47 : vector<2048x1xf32> to vector<2048x5xf32>
    %div3A_48 = arith.divf %exp3A, %div3A : vector<2048x5xf32>
    %swap3A = arith.constant 0 : index
    %swap3A_49 = arith.constant 0 : index
    %swap3A_50 = vector.load %arg9[%swap3A, %swap3A_49] : memref<2048x5xf32, #tpu.memory_space<vmem>>, vector<2048x5xf32>
    tpu.vector_store %arg9[%swap3A, %swap3A_49], %div3A_48 {strides = array<i32>} : memref<2048x5xf32, #tpu.memory_space<vmem>>, vector<2048x5xf32>,
    return
  }
  func.func @transform_0(%arg0: i32) -> (i32, i32) {
    %c0_i32 = arith.constant 0 : i32
    %c0_i32_0 = arith.constant 0 : i32
    return %arg0, %c0_i32 : i32, i32
  }
  func.func @transform_1(%arg0: i32) -> (i32, i32) {
    %c0_i32 = arith.constant 0 : i32
    %c0_i32_0 = arith.constant 0 : i32
    %c0_i32_1 = arith.constant 0 : i32
    return %c0_i32, %c0_i32_0 : i32, i32
  }
  func.func @transform_2(%arg0: i32) -> (i32, i32) {
    %c0_i32 = arith.constant 0 : i32
    %c0_i32_0 = arith.constant 0 : i32
    %c0_i32_1 = arith.constant 0 : i32
    return %c0_i32, %c0_i32_0 : i32, i32
  }
  func.func @transform_3(%arg0: i32) -> (i32, i32) {
    %c0_i32 = arith.constant 0 : i32
    %c0_i32_0 = arith.constant 0 : i32
    %c0_i32_1 = arith.constant 0 : i32
    return %c0_i32, %c0_i32_0 : i32, i32
  }
  func.func @transform_4(%arg0: i32) -> (i32, i32) {
    %c0_i32 = arith.constant 0 : i32
    %c0_i32_0 = arith.constant 0 : i32
    %c0_i32_1 = arith.constant 0 : i32
    return %c0_i32, %c0_i32_0 : i32, i32
  }
  func.func @transform_5(%arg0: i32) -> (i32, i32) {
    %c0_i32 = arith.constant 0 : i32
    %c0_i32_0 = arith.constant 0 : i32
    %c0_i32_1 = arith.constant 0 : i32
    return %c0_i32, %c0_i32_0 : i32, i32
  }
  func.func @transform_6(%arg0: i32) -> (i32, i32) {
    %c0_i32 = arith.constant 0 : i32
    %c0_i32_0 = arith.constant 0 : i32
    %c0_i32_1 = arith.constant 0 : i32
    return %c0_i32, %c0_i32_0 : i32, i32
  }
  func.func @transform_7(%arg0: i32) -> (i32, i32) {
    %c0_i32 = arith.constant 0 : i32
    %c0_i32_0 = arith.constant 0 : i32
    %c0_i32_1 = arith.constant 0 : i32
    return %c0_i32, %c0_i32_0 : i32, i32
  }
  func.func @transform_8(%arg0: i32) -> (i32, i32) {
    %c0_i32 = arith.constant 0 : i32
    %c0_i32_0 = arith.constant 0 : i32
    return %arg0, %c0_i32 : i32, i32
  }
}

</mosaic_0001>

<sc_bundles>
// kernel: kernel.4.cloned.1.call-start
scs
__scs_entry_jumppad:
0x0: {  	(pc) =	sbr.rel $0x88, $3  }
0x1: {  	(tag) =	ssettag $0x0;
	lr =	simm.s32 $0x1  }
0x2: {  	[smem:$0x3F97] =	sst lr;
	_ =	strace $0xD0000000  }
0x3: {  	_ = 	snop  }
0x4: {  	_ = 	snop  }
0x5: {  	_ = 	snop  }
0x6: {  	_ = 	snop  }
0x7: {  	_ = 	snop  }
__scs_overlays_trampoline_lowered:
0x8: {  	[smem:$0x3FA6] =	sst s0  }
0x9: {  	[smem:$0x3FA7] =	sst s1  }
0xa: {  	[smem:$0x3FA8] =	sst s2  }
0xb: {  	[smem:$0x3FA9] =	sst s3  }
0xc: {  	[smem:$0x3FAA] =	sst s4  }
0xd: {  	[smem:$0x3FAB] =	sst s5  }
0xe: {  	[smem:$0x3FAC] =	sst s6  }
0xf: {  	[smem:$0x3FAD] =	sst s7  }
0x10: {  	[smem:$0x3FAE] =	sst s8  }
0x11: {  	[smem:$0x3FAF] =	sst s9;
	s0 =	simm.s32 @!p0 $0x0  }
0x12: {  	s1 =	sld [smem:$0x3F95];
	s0 =	simm.s32 @p0 $0x1  }
0x13: {  	[smem:$0x3FB0] =	sst s0;
	s0 =	simm.s32 @!p1 $0x0  }
0x14: {  	s2 =	sld [smem:$0x3F94];
	s0 =	simm.s32 @p1 $0x1  }
0x15: {  	[smem:$0x3FB1] =	sst s0;
	s0 =	simm.s32 @!p2 $0x0  }
0x16: {  	s3 =	sld [smem:$0x3FDB];
	s0 =	simm.s32 @p2 $0x1  }
0x17: {  	s4 =	simm.s32 $0x1BF5;
	[smem:$0x3FB3] =	sst s0  }
0x18: {  	s0 =	sld [smem:$0x3F96];
	_ =	swait.ge [sflag:s4], $0x0  }
0x19: {  	s7 =	sld [smem:$0x3F97]  }
0x1a: {  	s8 =	sadd.s32 $0xFFFFE003, lr  }
0x1b: {  	s9 =	sadd.s32 $0xFFFFFEF7, lr;
	s5 =	simm.s32 $0xFFFFFFFF;
	p2 =	slt.u32 s8, $0xFFFFF086  }
0x1c: {  	p1 =	slt.u32 s9, $0xF7A;
	s5 =	simm.s32 @!p2 $0x0  }
0x1d: {  	s5 =	simm.s32 @p1 $0x1;
	p0 =	seq.s32 s7, s2  }
0x1e: {  	s7 =	smul.u32 @!p0 $0xF7A, s2;
	p2 =	seq.s32 @!p0 s5, $0x0  }
0x1f: {  	s9 =	smul.u32 $0xF7A, s1;
	s8 =	simm.s32 @!p0 $0x1BF5;
	p2 =	por !p2, p0  }
0x20: {  	[sflag:s8] =	ssyncset.s32 @!p0 $0xFFFFF086;
	s6 =	sadd.s32 @!p0 s3, s7;
	s7 =	simm.s32 @!p0 $0x108  }
0x21: {  	s3 =	sadd.s32 s3, s9;
	s6 =	sadd.s32 @!p0 $0x88, s6;
	s7 =	simm.s32 @p2 $0x1082  }
0x22: {  	[simem:s7], [sflag:s8] =	dma.local @!p0 [hbm:s6], $0xF7A  }
0x23: {  	s9 =	sor.u32 $0xD0000000, s2;
	s6 =	simm.s32 $0x108;
	_ =	swait.ge @!p0 [sflag:s8], $0x0  }
0x24: {  	s3 =	sadd.s32 $0x88, s3;
	s6 =	simm.s32 @!p1 $0x1082;
	[sflag:s4] =	ssyncset.s32 $0xFFFFF086  }
0x25: {  	[simem:s6], [sflag:s4] =	dma.local [hbm:s3], $0xF7A  }
0x26: {  	[smem:$0x3F97] =	sst s1;
	(tag) =	ssettag s2;
	_ =	strace s9  }
0x27: {  	s1 =	sld [smem:$0x3FA7]  }
0x28: {  	s2 =	sld [smem:$0x3FA8]  }
0x29: {  	s4 =	sld [smem:$0x3FAA]  }
0x2a: {  	p0 =	seq.s32 s5, $0x0;
	s5 =	sld [smem:$0x3FAB]  }
0x2b: {  	s6 =	sld [smem:$0x3FAC]  }
0x2c: {  	s7 =	sld [smem:$0x3FAD]  }
0x2d: {  	s3 =	simm.s32 $0x108;
	s8 =	sld [smem:$0x3FAE]  }
0x2e: {  	s3 =	simm.s32 @!p0 $0x1082;
	s9 =	sld [smem:$0x3FAF]  }
0x2f: {  	lr =	sadd.s32 s0, s3;
	s0 =	sld [smem:$0x3FA6]  }
0x30: {  	s3 =	sld [smem:$0x3FA9]  }
0x31: {  	[smem:$0x3FB2] =	sst s10  }
0x32: {  	s10 =	sld [smem:$0x3FB0];
	_ =	sdelay $0x3  }
0x33: {  	p0 =	seq.s32 s10, $0x1;
	s10 =	sld [smem:$0x3FB2];
	_ =	sdelay $0x3  }
0x34: {  	[smem:$0x3FB2] =	sst s10  }
0x35: {  	s10 =	sld [smem:$0x3FB1];
	_ =	sdelay $0x3  }
0x36: {  	p1 =	seq.s32 s10, $0x1;
	s10 =	sld [smem:$0x3FB2];
	_ =	sdelay $0x3  }
0x37: {  	[smem:$0x3FB2] =	sst s10  }
0x38: {  	s10 =	sld [smem:$0x3FB3]  }
0x39: {  	_ = 	snop;
	(pc) =	sbr.ind lr, $3  }
0x3a: {  	_ = 	snop  }
0x3b: {  	_ = 	snop  }
0x3c: {  	p2 =	seq.s32 s10, $0x1;
	s10 =	sld [smem:$0x3FB2]  }
0x3d: {  	_ =	shalt  }
0x3e: {  	_ =	shalt  }
0x3f: {  	_ =	shalt  }
0x40: {  	_ =	shalt  }
0x41: {  	_ =	shalt  }
0x42: {  	_ =	shalt  }
0x43: {  	_ =	shalt  }
0x44: {  	_ =	shalt  }
0x45: {  	_ =	shalt  }
0x46: {  	_ =	shalt  }
0x47: {  	_ =	shalt  }
0x48: {  	_ =	shalt  }
0x49: {  	_ =	shalt  }
0x4a: {  	_ =	shalt  }
0x4b: {  	_ =	shalt  }
0x4c: {  	_ =	shalt  }
0x4d: {  	_ =	shalt  }
0x4e: {  	_ =	shalt  }
0x4f: {  	_ =	shalt  }
0x50: {  	_ =	shalt  }
0x51: {  	_ =	shalt  }
0x52: {  	_ =	shalt  }
0x53: {  	_ =	shalt  }
0x54: {  	_ =	shalt  }
0x55: {  	_ =	shalt  }
0x56: {  	_ =	shalt  }
0x57: {  	_ =	shalt  }
0x58: {  	_ =	shalt  }
0x59: {  	_ =	shalt  }
0x5a: {  	_ =	shalt  }
0x5b: {  	_ =	shalt  }
0x5c: {  	_ =	shalt  }
0x5d: {  	_ =	shalt  }
0x5e: {  	_ =	shalt  }
0x5f: {  	_ =	shalt  }
0x60: {  	_ =	shalt  }
0x61: {  	_ =	shalt  }
0x62: {  	_ =	shalt  }
0x63: {  	_ =	shalt  }
0x64: {  	_ =	shalt  }
0x65: {  	_ =	shalt  }
0x66: {  	_ =	shalt  }
0x67: {  	_ =	shalt  }
0x68: {  	_ =	shalt  }
0x69: {  	_ =	shalt  }
0x6a: {  	_ =	shalt  }
0x6b: {  	_ =	shalt  }
0x6c: {  	_ =	shalt  }
0x6d: {  	_ =	shalt  }
0x6e: {  	_ =	shalt  }
0x6f: {  	_ =	shalt  }
0x70: {  	_ =	shalt  }
0x71: {  	_ =	shalt  }
0x72: {  	_ =	shalt  }
0x73: {  	_ =	shalt  }
0x74: {  	_ =	shalt  }
0x75: {  	_ =	shalt  }
0x76: {  	_ =	shalt  }
0x77: {  	_ =	shalt  }
0x78: {  	_ =	shalt  }
0x79: {  	_ =	shalt  }
0x7a: {  	_ =	shalt  }
0x7b: {  	_ =	shalt  }
0x7c: {  	_ =	shalt  }
0x7d: {  	_ =	shalt  }
0x7e: {  	_ =	shalt  }
0x7f: {  	_ =	shalt  }
0x80: {  	_ =	shalt  }
0x81: {  	_ =	shalt  }
0x82: {  	_ =	shalt  }
0x83: {  	_ =	shalt  }
0x84: {  	_ =	shalt  }
0x85: {  	_ =	shalt  }
0x86: {  	_ =	shalt  }
0x87: {  	_ =	shalt  }
.Lfunc_end0:
.L_simem_size_0:
called_computation_lowered:
.L_overlay_start_0:
0x88: {  	s2 =	sld [smem:$0x3FD9]  }
0x89: {  	s3 =	sld [smem:$0x3FFE];
	_ =	sdelay $0x1  }
0x8a: {  	s1 =	srdreg.scid  }
0x8b: {  	s0 =	sand.u32 $0x1, s1  }
0x8c: {  	s17 =	sshll.u32 s0, $0xA;
	s2 =	sadd.s32 s3, s2  }
0x8d: {  	s2 =	sadd.s32 s2, s17  }
0x8e: {  	[smem:$0x3FBE] =	sst s2  }
0x8f: {  	_ = 	snop  }
0x90: {  	s2 =	sld [smem:$0x3FD0];
	(tm) =	ssettm $0x1  }
0x91: {  	s18 =	sld [smem:$0x3FFB];
	_ =	sdelay $0x3  }
0x92: {  	_ =	strace s18  }
0x93: {  	s3 =	sld [smem:$0x3FFC];
	_ =	sdelay $0x3  }
0x94: {  	_ =	strace s3  }
0x95: {  	s3 =	sld [smem:$0x3FFD];
	_ =	sdelay $0x3  }
0x96: {  	_ =	strace s3  }
0x97: {  	_ =	strace $0x8FFFFFFF  }
0x98: {  	s19 =	sld [smem:$0x3FDB];
	_ =	sdelay $0x1  }
0x99: {  	s4 =	simm.s32 $_scs_section_size  }
0x9a: {  	s5 =	simm.s32 $_size__tile_overlayer_lowered;
	s6 =	simm.s32 $_tile_overlayer_lowered  }
0x9b: {  	s22 =	simm.s32 $0x1BFF;
	s21 =	sshll.u32 s6, $0x1;
	s3 =	sadd.s32 s4, s19  }
0x9c: {  	s7 =	simm.s32 $0x0;
	s20 =	sshll.u32 s5, $0x1;
	s5 =	sadd.s32 s21, s3  }
0x9d: {  	[timem:s7], [sflag:s22] =	dma.local [hbm:s5], s20  }
0x9e: {  	_ =	swait.ge [sflag:s22], s20  }
0x9f: {  	s4 =	ssub.s32 $0x0, s20;
	[sflag:s22] =	ssyncset.done $0x0  }
0xa0: {  	[sflag:s22] =	ssyncadd.s32 s4;
	_ =	sdelay $0x1  }
0xa1: {  	s23 =	simm.s32 $0x1B8B  }
0xa2: {  	_ =	swait.ge [sflag:s23], $0x1  }
0xa3: {  	[sflag:s23] =	ssyncset.done $0x0  }
0xa4: {  	s25 =	simm.s32 $0x1B8E;
	s24 =	sld [smem:$0x3FFE];
	[sflag:s23] =	ssyncadd.s32 $0xFFFFFFFF  }
0xa5: {  	s26 =	simm.s32 $execute0_lowered;
	[smem:$0x3FD2] =	sst s25  }
0xa6: {  	s5 =	sshll.u32 s26, $0x1;
	_ =	strace $0x80000046;
	[dreg:$0x1] =	wrdreg $0xFFFFFFFF  }
0xa7: {  	s28 =	simm.s32 $_size_execute0_lowered;
	s3 =	sadd.s32 s3, s5;
	[dreg:$0x0] =	wrdreg $0x0  }
0xa8: {  	s5 =	sshll.u32 s28, $0x1;
	[dreg:$0x2] =	wrdreg s3  }
0xa9: {  	[dreg:$0x3] =	wrdreg s5  }
0xaa: {  	[dreg:$0x4] =	wrdreg $0xC0  }
0xab: {  	_ =	task [dreg:s7], $0x5FFFF  }
0xac: {  	[dreg:$0x1] =	wrdreg $0xFFFFFFFF  }
0xad: {  	[dreg:$0x0] =	wrdreg $0x60  }
0xae: {  	[dreg:$0x2] =	wrdreg s2  }
0xaf: {  	[dreg:$0x3] =	wrdreg s24  }
0xb0: {  	[dreg:$0x4] =	wrdreg $0x0  }
0xb1: {  	[dreg:$0x5] =	wrdreg $0x2000  }
0xb2: {  	[dreg:$0x6] =	wrdreg $0x9  }
0xb3: {  	_ =	task.clear_ibuf [dreg:s7], $0x7FFFF;
	_ =	strace $0x90000046  }
0xb4: {  	s29 =	simm.s32 $0x9;
	_ =	strace $0x80000048  }
0xb5: {  	_ =	swait.ge [sflag:s29], $0x1  }
0xb6: {  	[sflag:s29] =	ssyncadd.s32 $0xFFFFFFFF  }
0xb7: {  	_ =	strace $0x90000048  }
0xb8: {  	_ =	sfence  }
0xb9: {  	s30 =	sld [smem:$0x0];
	_ =	sdelay $0x2  }
0xba: {  	s31 =	sshll.u32 s1, $0xD;
	s1 =	sshrl.u32 s1, $0x2  }
0xbb: {  	s3 =	sand.u32 $0x4000, s31;
	s1 =	sadd.s32 s1, s30  }
0xbc: {  	s0 =	sor.u32 s3, s0;
	s1 =	sshll.u32 s1, $0x11  }
0xbd: {  	s0 =	sor.u32 s1, s0  }
0xbe: {  	s0 =	sadd.s32 $0x8F2B, s0  }
0xbf: {  	[sflag:s0] =	ssyncadd.remote.s32 $0x1  }
0xc0: {  	_ =	sfence.sel $0xFFFF  }
0xc1: {  	[dreg:$0x0] =	wrdreg $0xFFFFFFFF;
	(pc) =	sbr.abs _section_cstart, $3  }
0xc2: {  	[dreg:$0x1] =	wrdreg $0xFFFFFFFF  }
0xc3: {  	_ =	task.clear_ibuf [dreg:s7], $0x2FFFF;
	_ =	strace $0x9FFFFFFF  }
0xc4: {  	(tm) =	ssettm $0x7FFFFFFF  }
0xc5: {  	_ =	shalt  }
tec
execute0_lowered:
.L_overlay_start_1:
0x0: {  	(tag) =	ssettag $0x1  }
0x1: {  	s0 =	rddreg [dreg:$0x0]  }
0x2: {  	s5 =	rddreg [dreg:$0x1]  }
0x3: {  	s1 =	srdreg.scid;
	s6 =	rddreg [dreg:$0x2]  }
0x4: {  	s13 =	stileid.u32;
	s8 =	rddreg [dreg:$0x3]  }
0x5: {  	s30 =	simm.s32 $0x2;
	s17 =	simm.s32 $0x10400;
	s1 =	sand.u32 $0x1, s1  }
0x6: {  	s2 =	sshll.u32 s13, $0x1;
	s9 =	sshll.u32 s13, $0x7;
	s4 =	sadd.s32 $0xF44000, s5  }
0x7: {  	s18 =	sshll.u32 s13, $0x9;
	s20 =	sshll.u32 s13, $0x6;
	s7 =	sor.u32 s1, s2  }
0x8: {  	s2 =	simm.s32 $0x0;
	s1 =	ssub.s32 $0x2, s1;
	s3 =	sshll.u32 s7, $0x4  }
0x9: {  	[smem:$0x7FF] =	sst s2;
	s7 =	sshll.u32 s7, $0xD;
	s19 =	sshrl.u32 s1, $0x1  }
0xa: {  	s3 =	sor.u32 s9, s3;
	_ =	strace $0x80000047;
	s12 =	sadd.s32 s7, s5  }
0xb: {  	s9 =	sand.u32 $0x380, s9;
	s1 =	ssub.s32 s1, s19;
	s7 =	sor.u32 $0x1C03, s20  }
0xc: {  	s10 =	sand.u32 $0x670, s3;
	s3 =	sadd.s32 $0x1C00, s5;
	s22 =	sadd.s32 $0x1E86400, s12  }
0xd: {  	s23 =	sadd.s32 $0x1E87400, s12;
	s24 =	smax.u32 s1, $0x1;
	[dreg:$0x7] =	wrdreg s22  }
0xe: {  	s11 =	sadd.s32 s10, s5;
	s5 =	sand.u32 $0x1000, s18;
	[dreg:$0x8] =	wrdreg s23  }
0xf: {  	s0 =	sadd.s32 s0, s10;
	[dreg:$0x9] =	wrdreg s24;
	s9 =	sor.u32 s9, s5  }
0x10: {  	[dreg:$0x5] =	wrdreg s0;
	s21 =	sadd.s32 $0x1400, s11;
	s5 =	sadd.s32 s9, s6  }
0x11: {  	s20 =	simm.s32 $0x1;
	[dreg:$0x6] =	wrdreg s21;
	s25 =	sadd.s32 $0x400, s5  }
0x12: {  	s1 =	simm.s32 $0x0;
	s26 =	sadd.s32 $0x800, s5;
	[dreg:$0xa] =	wrdreg s25  }
0x13: {  	s8 =	sadd.s32 s9, s8;
	s28 =	sadd.s32 $0xC00, s5;
	[dreg:$0xb] =	wrdreg s26  }
0x14: {  	s22 =	simm.s32 $0x3;
	s29 =	sadd.s32 $0x400, s8;
	[dreg:$0xc] =	wrdreg s28  }
0x15: {  	s21 =	simm.s32 $0x80;
	s31 =	sadd.s32 $0x800, s8;
	[dreg:$0xd] =	wrdreg s29  }
0x16: {  	s18 =	sadd.s32 $0xC00, s8;
	s19 =	sshrl.u32 s5, $0x3;
	[dreg:$0xe] =	wrdreg s31  }
.LBB2_1:
0x17: {  	s0 =	rddreg [dreg:$0x5]  }
0x18: {  	[spmem:s19@s21], [sflag:s7] =	dma.strided [hbm:s0@s21], $0x40, s20, $0x10   }
0x19: {  	_ =	swait.ge [sflag:s22], $0x40  }
0x1a: {  	[sflag:s22] =	ssyncset.done $0x0  }
0x1b: {  	s10 =	sshrl.u32 s8, $0x3;
	s6 =	rddreg [dreg:$0x6];
	[sflag:s22] =	ssyncadd.s32 $0xFFFFFFC0  }
0x1c: {  	[spmem:s10@s21], [sflag:s7] =	dma.strided [hbm:s6@s21], $0x40, s20, $0x10   }
0x1d: {  	_ =	swait.ge [sflag:s22], $0x40  }
0x1e: {  	[sflag:s22] =	ssyncset.done $0x0  }
0x1f: {  	[sflag:s22] =	ssyncadd.s32 $0xFFFFFFC0  }
0x20: {  	[smem:s2], [sflag:$0x3] =	stream.linear.gather [spmem:s5], $0x80, $0x38;
	[tilespmem:$0x18400] =	vst v63  }
0x21: {  	s11 =	rddreg [dreg:$0xa]  }
0x22: {  	[smem:s21], [sflag:$0x3] =	stream.linear.gather [spmem:s11], $0x80, $0x38;
	[tilespmem:$0x18400] =	vst v63  }
0x23: {  	s12 =	simm.s32 $0x100;
	s0 =	rddreg [dreg:$0xb]  }
0x24: {  	[smem:s12], [sflag:$0x3] =	stream.linear.gather [spmem:s0], $0x80, $0x38;
	[tilespmem:$0x18400] =	vst v63  }
0x25: {  	s13 =	simm.s32 $0x180;
	s0 =	rddreg [dreg:$0xc]  }
0x26: {  	[smem:s13], [sflag:$0x3] =	stream.linear.gather [spmem:s0], $0x80, $0x38;
	[tilespmem:$0x18400] =	vst v63  }
0x27: {  	_ =	swait.ge [sflag:s22], $0x200  }
0x28: {  	[sflag:s22] =	ssyncset.done $0x0  }
0x29: {  	s14 =	simm.s32 $0x200;
	[sflag:s22] =	ssyncadd.s32 $0xFFFFFE00  }
0x2a: {  	[smem:s14], [sflag:$0x3] =	stream.linear.gather [spmem:s8], $0x80, $0x38;
	[tilespmem:$0x18400] =	vst v63  }
0x2b: {  	s15 =	simm.s32 $0x280;
	s0 =	rddreg [dreg:$0xd]  }
0x2c: {  	[smem:s15], [sflag:$0x3] =	stream.linear.gather [spmem:s0], $0x80, $0x38;
	[tilespmem:$0x18400] =	vst v63  }
0x2d: {  	s16 =	simm.s32 $0x300;
	s0 =	rddreg [dreg:$0xe]  }
0x2e: {  	[smem:s16], [sflag:$0x3] =	stream.linear.gather [spmem:s0], $0x80, $0x38;
	[tilespmem:$0x18400] =	vst v63  }
0x2f: {  	s23 =	simm.s32 $0x380  }
0x30: {  	[smem:s23], [sflag:$0x3] =	stream.linear.gather [spmem:s18], $0x80, $0x38;
	[tilespmem:$0x18400] =	vst v63  }
0x31: {  	_ =	swait.ge [sflag:s22], $0x200  }
0x32: {  	[sflag:s22] =	ssyncset.done $0x0  }
0x33: {  	[sflag:s22] =	ssyncadd.s32 $0xFFFFFE00  }
0x34: {  	s24 =	sld [smem:$0x200]  }
0x35: {  	s9 =	sld [smem:$0x1]  }
0x36: {  	s25 =	simm.s32 $0x480;
	s31 =	simm.s32 $0x8480;
	s10 =	sld [smem:$0x201]  }
0x37: {  	s28 =	simm.s32 $0x8700;
	s29 =	simm.s32 $0x700;
	s11 =	sld [smem:$0x0]  }
0x38: {  	s14 =	simm.s32 $0x400;
	s0 =	simm.s32 $0x0;
	s16 =	simm.s32 $0x8500  }
0x39: {  	s6 =	sshll.u32 s24, $0x4;
	s24 =	simm.s32 $0x8400;
	s12 =	sld [smem:$0x3]  }
0x3a: {  	s6 =	sand.u32 $0x1FFFFFF0, s6;
	s9 =	sshll.u32 s9, $0x4;
	s11 =	sshll.u32 s11, $0x4  }
0x3b: {  	s13 =	sld [smem:$0x202];
	s10 =	sshll.u32 s10, $0x4;
	s11 =	sand.u32 $0x1FFFFFF0, s11  }
0x3c: {  	s9 =	sand.u32 $0x1FFFFFF0, s9;
	s15 =	sld [smem:$0x2];
	s11 =	sadd.s32 s3, s11  }
0x3d: {  	[tilespmem:s14], [sflag:$0x1] =	stream.linear.gather [hbm4b:s11+s2], $0x80, $0x38;
	[tilespmem:$0x18400] =	vst v63  }
0x3e: {  	s6 =	sadd.s32 s4, s6;
	s10 =	sand.u32 $0x1FFFFFF0, s10;
	s9 =	sadd.s32 s3, s9  }
0x3f: {  	[tilespmem:s24], [sflag:$0x2] =	stream.linear.gather [hbm4b:s6+s2], $0x80, $0x38;
	[tilespmem:$0x18400] =	vst v63  }
0x40: {  	s12 =	sshll.u32 s12, $0x4;
	s10 =	sadd.s32 s4, s10;
	s26 =	sshll.u32 s15, $0x4  }
0x41: {  	[tilespmem:s25], [sflag:$0x1] =	stream.linear.gather [hbm4b:s9+s2], $0x80, $0x38;
	[tilespmem:$0x18400] =	vst v63  }
0x42: {  	s13 =	sshll.u32 s13, $0x4;
	s14 =	simm.s32 $0x500;
	s6 =	sand.u32 $0x1FFFFFF0, s26  }
0x43: {  	[tilespmem:s31], [sflag:$0x2] =	stream.linear.gather [hbm4b:s10+s2], $0x80, $0x38;
	[tilespmem:$0x18400] =	vst v63  }
0x44: {  	s11 =	sand.u32 $0x1FFFFFF0, s13;
	s6 =	sadd.s32 s3, s6;
	s10 =	sld [smem:$0x203]  }
0x45: {  	[tilespmem:s14], [sflag:$0x1] =	stream.linear.gather [hbm4b:s6+s2], $0x80, $0x38;
	[tilespmem:$0x18400] =	vst v63  }
0x46: {  	s12 =	sand.u32 $0x1FFFFFF0, s12;
	s15 =	sadd.s32 s4, s11;
	s25 =	sld [smem:$0x4]  }
0x47: {  	[tilespmem:s16], [sflag:$0x2] =	stream.linear.gather [hbm4b:s15+s2], $0x80, $0x38;
	[tilespmem:$0x18400] =	vst v63  }
0x48: {  	s24 =	sadd.s32 s3, s12;
	s26 =	simm.s32 $0x580;
	s31 =	sld [smem:$0x204]  }
0x49: {  	[tilespmem:s26], [sflag:$0x1] =	stream.linear.gather [hbm4b:s24+s2], $0x80, $0x38;
	[tilespmem:$0x18400] =	vst v63  }
0x4a: {  	s23 =	simm.s32 $0x0;
	s13 =	simm.s32 $0x8580;
	s10 =	sshll.u32 s10, $0x4  }
0x4b: {  	s6 =	simm.s32 $0x8680;
	s24 =	simm.s32 $0x600;
	s10 =	sand.u32 $0x1FFFFFF0, s10  }
0x4c: {  	s26 =	sld [smem:$0x5];
	s12 =	sshll.u32 s25, $0x4;
	s15 =	sadd.s32 s4, s10  }
0x4d: {  	[tilespmem:s13], [sflag:$0x2] =	stream.linear.gather [hbm4b:s15+s2], $0x80, $0x38;
	[tilespmem:$0x18400] =	vst v63  }
0x4e: {  	s16 =	sand.u32 $0x1FFFFFF0, s12;
	s25 =	sshll.u32 s31, $0x4;
	s10 =	sld [smem:$0x7]  }
0x4f: {  	s12 =	sadd.s32 s3, s16;
	s15 =	simm.s32 $0x8600;
	s14 =	sld [smem:$0x205]  }
0x50: {  	[tilespmem:s24], [sflag:$0x1] =	stream.linear.gather [hbm4b:s12+s2], $0x80, $0x38;
	[tilespmem:$0x18400] =	vst v63  }
0x51: {  	s31 =	sand.u32 $0x1FFFFFF0, s25;
	s13 =	sshll.u32 s26, $0x4;
	s9 =	sld [smem:$0x207]  }
0x52: {  	s25 =	sadd.s32 s4, s31;
	s16 =	sand.u32 $0x1FFFFFF0, s13;
	s13 =	sld [smem:$0x6]  }
0x53: {  	[tilespmem:s15], [sflag:$0x2] =	stream.linear.gather [hbm4b:s25+s2], $0x80, $0x38;
	[tilespmem:$0x18400] =	vst v63  }
0x54: {  	s24 =	simm.s32 $0x20C;
	s12 =	simm.s32 $0x680;
	s26 =	sshll.u32 s14, $0x4  }
0x55: {  	s25 =	simm.s32 $0xC;
	s14 =	sadd.s32 s3, s16;
	s31 =	sand.u32 $0x1FFFFFF0, s26  }
0x56: {  	s15 =	sld [smem:$0x206];
	s26 =	simm.s32 $0x1000;
	s11 =	sadd.s32 s4, s31  }
.LBB2_2:
0x57: {  	[tilespmem:s12], [sflag:$0x1] =	stream.linear.gather [hbm4b:s14+s2], $0x80, $0x38;
	[tilespmem:$0x18400] =	vst v63  }
0x58: {  	s23 =	sadd.s32 $0x8, s23;
	s13 =	sshll.u32 s13, $0x4;
	s12 =	sld [smem:s24+$0xFFFFFFFC]  }
0x59: {  	p0 =	slt.u32 s23, $0xF8;
	s13 =	sand.u32 $0x1FFFFFF0, s13;
	s14 =	sshll.u32 s15, $0x4  }
0x5a: {  	s13 =	sadd.s32 s3, s13;
	s15 =	sld [smem:s25+$0xFFFFFFFD];
	s14 =	sand.u32 $0x1FFFFFF0, s14  }
0x5b: {  	[tilespmem:s6], [sflag:$0x2] =	stream.linear.gather [hbm4b:s11+s2], $0x80, $0x38;
	[tilespmem:$0x18400] =	vst v63  }
0x5c: {  	s10 =	sshll.u32 s10, $0x4;
	s11 =	sadd.s32 s4, s14;
	s6 =	sld [smem:s24+$0xFFFFFFFD]  }
0x5d: {  	[tilespmem:s29], [sflag:$0x1] =	stream.linear.gather [hbm4b:s13+s2], $0x80, $0x38;
	[tilespmem:$0x18400] =	vst v63  }
0x5e: {  	s10 =	sand.u32 $0x1FFFFFF0, s10;
	s14 =	sadd.s32 $0x780, s0;
	s13 =	sld [smem:s25+$0xFFFFFFFC]  }
0x5f: {  	[tilespmem:s28], [sflag:$0x2] =	stream.linear.gather [hbm4b:s11+s2], $0x80, $0x38;
	[tilespmem:$0x18400] =	vst v63  }
0x60: {  	s10 =	sadd.s32 s3, s10;
	s28 =	sadd.s32 $0x8780, s0;
	s11 =	sld [smem:s25+$0xFFFFFFFF]  }
0x61: {  	[tilespmem:s14], [sflag:$0x1] =	stream.linear.gather [hbm4b:s10+s2], $0x80, $0x38;
	[tilespmem:$0x18400] =	vst v63  }
0x62: {  	s9 =	sshll.u32 s9, $0x4;
	s0 =	sshra.s32 s26, $0x2;
	s10 =	sld [smem:s24+$0xFFFFFFFE]  }
0x63: {  	s9 =	sand.u32 $0x1FFFFFF0, s9;
	s13 =	sshll.u32 s13, $0x4;
	s11 =	sshll.u32 s11, $0x4  }
0x64: {  	s9 =	sadd.s32 s4, s9;
	s13 =	sand.u32 $0x1FFFFFF0, s13;
	s11 =	sand.u32 $0x1FFFFFF0, s11  }
0x65: {  	[tilespmem:s28], [sflag:$0x2] =	stream.linear.gather [hbm4b:s9+s2], $0x80, $0x38;
	[tilespmem:$0x18400] =	vst v63  }
0x66: {  	s12 =	sshll.u32 s12, $0x4;
	s13 =	sadd.s32 s3, s13;
	s9 =	sadd.s32 $0x400, s0  }
0x67: {  	s12 =	sand.u32 $0x1FFFFFF0, s12;
	s6 =	sshll.u32 s6, $0x4;
	s14 =	sld [smem:s25+$0xFFFFFFFE]  }
0x68: {  	s12 =	sadd.s32 s4, s12;
	s15 =	sshll.u32 s15, $0x4;
	s28 =	sadd.s32 $0x8400, s0  }
0x69: {  	[tilespmem:s9], [sflag:$0x1] =	stream.linear.gather [hbm4b:s13+s2], $0x80, $0x38;
	[tilespmem:$0x18400] =	vst v63  }
0x6a: {  	s6 =	sand.u32 $0x1FFFFFF0, s6;
	s9 =	sadd.s32 $0x480, s0;
	s13 =	sand.u32 $0x1FFFFFF0, s15  }
0x6b: {  	[tilespmem:s28], [sflag:$0x2] =	stream.linear.gather [hbm4b:s12+s2], $0x80, $0x38;
	[tilespmem:$0x18400] =	vst v63  }
0x6c: {  	s6 =	sadd.s32 s4, s6;
	s12 =	sadd.s32 s3, s13;
	s13 =	sshll.u32 s14, $0x4  }
0x6d: {  	[tilespmem:s9], [sflag:$0x1] =	stream.linear.gather [hbm4b:s12+s2], $0x80, $0x38;
	[tilespmem:$0x18400] =	vst v63  }
0x6e: {  	s10 =	sshll.u32 s10, $0x4;
	s9 =	sadd.s32 $0x8480, s0;
	s12 =	sand.u32 $0x1FFFFFF0, s13  }
0x6f: {  	s10 =	sand.u32 $0x1FFFFFF0, s10;
	s13 =	sadd.s32 $0x500, s0;
	s12 =	sadd.s32 s3, s12  }
0x70: {  	[tilespmem:s9], [sflag:$0x2] =	stream.linear.gather [hbm4b:s6+s2], $0x80, $0x38;
	[tilespmem:$0x18400] =	vst v63  }
0x71: {  	s28 =	sadd.s32 $0x8700, s0;
	s9 =	sadd.s32 s4, s10;
	s6 =	sld [smem:s24+$0xFFFFFFFF]  }
0x72: {  	[tilespmem:s13], [sflag:$0x1] =	stream.linear.gather [hbm4b:s12+s2], $0x80, $0x38;
	[tilespmem:$0x18400] =	vst v63  }
0x73: {  	s29 =	sadd.s32 $0x700, s0;
	s11 =	sadd.s32 s3, s11;
	s10 =	sadd.s32 $0x8500, s0  }
0x74: {  	s12 =	sshll.u32 s6, $0x4;
	s13 =	sld [smem:s25+$0x0];
	s6 =	sadd.s32 $0x8680, s0  }
0x75: {  	[tilespmem:s10], [sflag:$0x2] =	stream.linear.gather [hbm4b:s9+s2], $0x80, $0x38;
	[tilespmem:$0x18400] =	vst v63  }
0x76: {  	s15 =	smov.u32 s24;
	s9 =	sadd.s32 $0x580, s0;
	s10 =	sand.u32 $0x1FFFFFF0, s12  }
0x77: {  	s12 =	sadd.s32 $0x8580, s0;
	s10 =	sadd.s32 s4, s10;
	s13 =	sshll.u32 s13, $0x4  }
0x78: {  	s13 =	sand.u32 $0x1FFFFFF0, s13;
	s14 =	sld [smem:s24+$0x0]  }
0x79: {  	[tilespmem:s9], [sflag:$0x1] =	stream.linear.gather [hbm4b:s11+s2], $0x80, $0x38;
	[tilespmem:$0x18400] =	vst v63  }
0x7a: {  	s9 =	sadd.s32 $0x600, s0;
	s11 =	sadd.s32 s3, s13  }
0x7b: {  	s13 =	sshll.u32 s14, $0x4;
	s14 =	sld [smem:s25+$0x1]  }
0x7c: {  	[tilespmem:s12], [sflag:$0x2] =	stream.linear.gather [hbm4b:s10+s2], $0x80, $0x38;
	[tilespmem:$0x18400] =	vst v63  }
0x7d: {  	s12 =	sand.u32 $0x1FFFFFF0, s13  }
0x7e: {  	s16 =	sadd.s32 $0x8600, s0;
	s10 =	sld [smem:s25+$0x3];
	s31 =	sadd.s32 s4, s12  }
0x7f: {  	s12 =	sshll.u32 s14, $0x4;
	s13 =	sld [smem:s24+$0x1];
	s24 =	sadd.s32 $0x8, s24  }
0x80: {  	[tilespmem:s9], [sflag:$0x1] =	stream.linear.gather [hbm4b:s11+s2], $0x80, $0x38;
	[tilespmem:$0x18400] =	vst v63  }
.Ltmp0:
0x81: {  	s11 =	sand.u32 $0x1FFFFFF0, s12;
	s9 =	sld [smem:s15+$0x3];
	(pc) =	sbr.rel @p0 .LBB2_2-.Ltmp0, $4  }
0x82: {  	s12 =	sadd.s32 $0x680, s0;
	s14 =	sadd.s32 s3, s11;
	s11 =	sshll.u32 s13, $0x4  }
0x83: {  	s11 =	sand.u32 $0x1FFFFFF0, s11;
	s13 =	sld [smem:s25+$0x2];
	s25 =	sadd.s32 $0x8, s25  }
0x84: {  	[tilespmem:s16], [sflag:$0x2] =	stream.linear.gather [hbm4b:s31+s2], $0x80, $0x38;
	[tilespmem:$0x18400] =	vst v63  }
0x85: {  	s26 =	sadd.s32 $0x1000, s26;
	s11 =	sadd.s32 s4, s11;
	s15 =	sld [smem:s15+$0x2]  }
0x86: {  	[tilespmem:s12], [sflag:$0x1] =	stream.linear.gather [hbm4b:s14+s2], $0x80, $0x38;
	[tilespmem:$0x18400] =	vst v63  }
0x87: {  	s14 =	sshll.u32 s13, $0x4  }
0x88: {  	s12 =	sand.u32 $0x1FFFFFF0, s14;
	s15 =	sshll.u32 s15, $0x4  }
0x89: {  	[tilespmem:s6], [sflag:$0x2] =	stream.linear.gather [hbm4b:s11+s2], $0x80, $0x38;
	[tilespmem:$0x18400] =	vst v63  }
0x8a: {  	s10 =	sshll.u32 s10, $0x4;
	s16 =	sadd.s32 s3, s12;
	s23 =	sand.u32 $0x1FFFFFF0, s15  }
0x8b: {  	[tilespmem:s29], [sflag:$0x1] =	stream.linear.gather [hbm4b:s16+s2], $0x80, $0x38;
	[tilespmem:$0x18400] =	vst v63  }
0x8c: {  	s26 =	sshll.u32 s9, $0x4;
	s10 =	sand.u32 $0x1FFFFFF0, s10;
	s24 =	sadd.s32 s4, s23  }
0x8d: {  	[tilespmem:s28], [sflag:$0x2] =	stream.linear.gather [hbm4b:s24+s2], $0x80, $0x38;
	[tilespmem:$0x18400] =	vst v63  }
0x8e: {  	s25 =	sadd.s32 $0x780, s0;
	s10 =	sadd.s32 s3, s10;
	s6 =	sand.u32 $0x1FFFFFF0, s26  }
0x8f: {  	[tilespmem:s25], [sflag:$0x1] =	stream.linear.gather [hbm4b:s10+s2], $0x80, $0x38;
	[tilespmem:$0x18400] =	vst v63  }
0x90: {  	s6 =	sadd.s32 s4, s6;
	s28 =	sadd.s32 $0x8780, s0  }
0x91: {  	[tilespmem:s28], [sflag:$0x2] =	stream.linear.gather [hbm4b:s6+s2], $0x80, $0x38;
	[tilespmem:$0x18400] =	vst v63  }
0x92: {  	_ =	swait.ge [sflag:s20], $0x8000  }
0x93: {  	[sflag:s20] =	ssyncset.done $0x0  }
0x94: {  	[sflag:s20] =	ssyncadd.s32 $0xFFFF8000  }
0x95: {  	_ =	swait.ge [sflag:s30], $0x8000  }
0x96: {  	[sflag:s30] =	ssyncset.done $0x0  }
0x97: {  	s29 =	simm.s32 $0x500;
	[sflag:s30] =	ssyncadd.s32 $0xFFFF8000  }
0x98: {  	v1 =	vld [tilespmem:s29+$0xFFFFFF80]  }
0x99: {  	v0 =	vld [tilespmem:s29+$0x80]  }
0x9a: {  	v2 =	vld [tilespmem:s29+$0x0];
	_ =	sdelay $0x1  }
0x9b: {  	s0 =	simm.s32 $0x10500  }
0x9c: {  	s31 =	simm.s32 $0x8500;
	v3 =	vld [tilespmem:s29+$0xFFFFFF00];
	[tilespmem:s0+$0xFFFFFF80] =	vst v1  }
0x9d: {  	[tilespmem:s0+$0x80] =	vst v0;
	v1 =	vld [tilespmem:s31+$0xFFFFFF80]  }
0x9e: {  	[tilespmem:s0+$0x0] =	vst v2;
	v0 =	vld [tilespmem:s31+$0x80]  }
0x9f: {  	v2 =	vld [tilespmem:s31+$0x0]  }
0xa0: {  	s23 =	simm.s32 $0x700  }
0xa1: {  	v4 =	vld [tilespmem:s23+$0x80];
	[tilespmem:s0+$0xFFFFFF00] =	vst v3  }
0xa2: {  	v3 =	vld [tilespmem:s31+$0xFFFFFF00];
	[tilespmem:s0+$0xFFFFFFA0] =	vst v1  }
0xa3: {  	[tilespmem:s0+$0xA0] =	vst v0;
	v1 =	vld [tilespmem:s29+$0xFFFFFF90]  }
0xa4: {  	[tilespmem:s0+$0x20] =	vst v2;
	v0 =	vld [tilespmem:s29+$0x90]  }
0xa5: {  	s6 =	simm.s32 $0x10700;
	v2 =	vld [tilespmem:s29+$0x10]  }
0xa6: {  	s24 =	simm.s32 $0x8700;
	v5 =	vld [tilespmem:s23+$0xFFFFFF80];
	[tilespmem:s6+$0x80] =	vst v4  }
0xa7: {  	v4 =	vld [tilespmem:s24+$0x80];
	[tilespmem:s0+$0xFFFFFF20] =	vst v3  }
0xa8: {  	[tilespmem:s0+$0xFFFFFF90] =	vst v1;
	v1 =	vld [tilespmem:s23+$0x0]  }
0xa9: {  	v3 =	vld [tilespmem:s23+$0xFFFFFF00];
	[tilespmem:s0+$0x90] =	vst v0  }
0xaa: {  	[tilespmem:s0+$0x10] =	vst v2;
	v2 =	vld [tilespmem:s29+$0xFFFFFF10]  }
0xab: {  	[tilespmem:s6+$0xFFFFFF80] =	vst v5;
	v0 =	vld [tilespmem:s31+$0x90]  }
0xac: {  	v5 =	vld [tilespmem:s24+$0xFFFFFF80];
	[tilespmem:s6+$0xA0] =	vst v4  }
0xad: {  	[tilespmem:s6+$0x0] =	vst v1;
	v1 =	vld [tilespmem:s31+$0xFFFFFF90]  }
0xae: {  	[tilespmem:s6+$0xFFFFFF00] =	vst v3;
	v6 =	vld [tilespmem:s24+$0x0]  }
0xaf: {  	v7 =	vld [tilespmem:s24+$0xFFFFFF00];
	[tilespmem:s0+$0xFFFFFF10] =	vst v2  }
0xb0: {  	[tilespmem:s0+$0xB0] =	vst v0;
	v0 =	vld [tilespmem:s31+$0xFFFFFF10]  }
0xb1: {  	[tilespmem:s6+$0xFFFFFFA0] =	vst v5;
	v2 =	vld [tilespmem:s23+$0x90]  }
0xb2: {  	v3 =	vld [tilespmem:s23+$0xFFFFFF90];
	[tilespmem:s0+$0xFFFFFFB0] =	vst v1  }
0xb3: {  	v1 =	vld [tilespmem:s31+$0x10];
	[tilespmem:s6+$0x20] =	vst v6  }
0xb4: {  	s9 =	simm.s32 $0x8700;
	s10 =	simm.s32 $0x4;
	s25 =	simm.s32 $0x900;
	[tilespmem:s6+$0xFFFFFF20] =	vst v7;
	v4 =	vld [tilespmem:s23+$0x10]  }
.LBB2_4:
0xb5: {  	v5 =	vld [tilespmem:s25+$0x80];
	s10 =	sadd.s32 $0x4, s10;
	[tilespmem:s0+$0xFFFFFF30] =	vst v0  }
0xb6: {  	v0 =	vld [tilespmem:s25+$0xFFFFFF80];
	p0 =	slt.u32 s10, $0xFC;
	[tilespmem:s6+$0x90] =	vst v2  }
0xb7: {  	[tilespmem:s6+$0xFFFFFF90] =	vst v3;
	v2 =	vld [tilespmem:s24+$0x90]  }
0xb8: {  	v3 =	vld [tilespmem:s25+$0x0];
	[tilespmem:s0+$0x30] =	vst v1;
	s0 =	smov.u32 s6  }
0xb9: {  	s6 =	sadd.s32 $0x200, s6;
	v1 =	vld [tilespmem:s25+$0xFFFFFF00];
	[tilespmem:s0+$0x10] =	vst v4  }
0xba: {  	s24 =	sadd.s32 $0x200, s24;
	[tilespmem:s6+$0x80] =	vst v5;
	v4 =	vld [tilespmem:s23+$0xFFFFFF10];
	s23 =	smov.u32 s25  }
0xbb: {  	[tilespmem:s6+$0xFFFFFF80] =	vst v0;
	v0 =	vld [tilespmem:s24+$0x80]  }
0xbc: {  	v5 =	vld [tilespmem:s24+$0xFFFFFF80];
	[tilespmem:s0+$0xB0] =	vst v2  }
0xbd: {  	[tilespmem:s6+$0x0] =	vst v3;
	v6 =	vld [tilespmem:s9+$0xFFFFFF90]  }
0xbe: {  	[tilespmem:s6+$0xFFFFFF00] =	vst v1;
	v1 =	vld [tilespmem:s24+$0x0]  }
0xbf: {  	v7 =	vld [tilespmem:s24+$0xFFFFFF00];
	[tilespmem:s0+$0xFFFFFF10] =	vst v4  }
.Ltmp1:
0xc0: {  	[tilespmem:s6+$0xA0] =	vst v0;
	v0 =	vld [tilespmem:s9+$0xFFFFFF10];
	(pc) =	sbr.rel @p0 .LBB2_4-.Ltmp1, $4  }
0xc1: {  	[tilespmem:s6+$0xFFFFFFA0] =	vst v5;
	v2 =	vld [tilespmem:s25+$0x90]  }
0xc2: {  	v3 =	vld [tilespmem:s25+$0xFFFFFF90];
	[tilespmem:s0+$0xFFFFFFB0] =	vst v6  }
0xc3: {  	[tilespmem:s6+$0x20] =	vst v1;
	v1 =	vld [tilespmem:s9+$0x10];
	s9 =	smov.u32 s24  }
0xc4: {  	s25 =	sadd.s32 $0x200, s25;
	[tilespmem:s6+$0xFFFFFF20] =	vst v7;
	v4 =	vld [tilespmem:s23+$0x10]  }
0xc5: {  	v5 =	vld [tilespmem:s23+$0xFFFFFF10];
	_ =	sdelay $0x1  }
0xc6: {  	[tilespmem:s6+$0x90] =	vst v2  }
0xc7: {  	[tilespmem:s6+$0xFFFFFF90] =	vst v3;
	v2 =	vld [tilespmem:s24+$0x90]  }
0xc8: {  	v3 =	vld [tilespmem:s9+$0xFFFFFF90];
	[tilespmem:s6+$0x10] =	vst v4  }
0xc9: {  	[tilespmem:s6+$0xFFFFFF10] =	vst v5;
	v63 =	vld [tilespmem:s9+$0x10]  }
0xca: {  	[tilespmem:s0+$0xFFFFFF30] =	vst v0;
	v62 =	vld [tilespmem:s9+$0xFFFFFF10]  }
0xcb: {  	[tilespmem:s0+$0x30] =	vst v1  }
0xcc: {  	[tilespmem:s6+$0xB0] =	vst v2  }
0xcd: {  	[tilespmem:s6+$0xFFFFFFB0] =	vst v3  }
0xce: {  	[tilespmem:s6+$0x30] =	vst v63  }
0xcf: {  	[tilespmem:s6+$0xFFFFFF30] =	vst v62  }
0xd0: {  	s25 =	simm.s32 $0x0;
	s6 =	rddreg [dreg:$0x7]  }
0xd1: {  	[hbm4b:s6+s25] =	stream.linear.scatter [tilespmem:s17], [sflag:$0x3], $0x8000, $0x38;
	[tilespmem:$0x18400] =	vst v63  }
0xd2: {  	_ =	swait.ge [sflag:s22], $0x8000  }
0xd3: {  	[sflag:s22] =	ssyncset.done $0x0  }
0xd4: {  	[sflag:s22] =	ssyncadd.s32 $0xFFFF8000  }
0xd5: {  	s26 =	sld [smem:$0x300]  }
0xd6: {  	s31 =	sld [smem:$0x101]  }
0xd7: {  	s23 =	simm.s32 $0x0;
	s14 =	simm.s32 $0x400;
	s10 =	sld [smem:$0x301]  }
0xd8: {  	s16 =	simm.s32 $0x8400;
	s28 =	simm.s32 $0x8700;
	s11 =	sld [smem:$0x100]  }
0xd9: {  	s29 =	simm.s32 $0x700;
	s17 =	simm.s32 $0x480;
	s6 =	sshll.u32 s26, $0x4  }
0xda: {  	s25 =	simm.s32 $0x8480;
	s12 =	sld [smem:$0x103];
	s6 =	sand.u32 $0x1FFFFFF0, s6  }
0xdb: {  	s9 =	sshll.u32 s31, $0x4;
	s31 =	simm.s32 $0x500;
	s11 =	sshll.u32 s11, $0x4  }
0xdc: {  	s13 =	sld [smem:$0x302];
	s10 =	sshll.u32 s10, $0x4;
	s11 =	sand.u32 $0x1FFFFFF0, s11  }
0xdd: {  	s9 =	sand.u32 $0x1FFFFFF0, s9;
	s15 =	sld [smem:$0x102];
	s11 =	sadd.s32 s3, s11  }
0xde: {  	[tilespmem:s14], [sflag:$0x1] =	stream.linear.gather [hbm4b:s11+s2], $0x80, $0x38;
	[tilespmem:$0x18400] =	vst v63  }
0xdf: {  	s6 =	sadd.s32 s4, s6;
	s10 =	sand.u32 $0x1FFFFFF0, s10;
	s9 =	sadd.s32 s3, s9  }
0xe0: {  	[tilespmem:s16], [sflag:$0x2] =	stream.linear.gather [hbm4b:s6+s2], $0x80, $0x38;
	[tilespmem:$0x18400] =	vst v63  }
0xe1: {  	s12 =	sshll.u32 s12, $0x4;
	s10 =	sadd.s32 s4, s10;
	s24 =	sshll.u32 s15, $0x4  }
0xe2: {  	[tilespmem:s17], [sflag:$0x1] =	stream.linear.gather [hbm4b:s9+s2], $0x80, $0x38;
	[tilespmem:$0x18400] =	vst v63  }
0xe3: {  	s12 =	sand.u32 $0x1FFFFFF0, s12;
	s26 =	sshll.u32 s13, $0x4;
	s6 =	sand.u32 $0x1FFFFFF0, s24  }
0xe4: {  	[tilespmem:s25], [sflag:$0x2] =	stream.linear.gather [hbm4b:s10+s2], $0x80, $0x38;
	[tilespmem:$0x18400] =	vst v63  }
0xe5: {  	s11 =	sand.u32 $0x1FFFFFF0, s26;
	s6 =	sadd.s32 s3, s6;
	s10 =	sld [smem:$0x303]  }
0xe6: {  	[tilespmem:s31], [sflag:$0x1] =	stream.linear.gather [hbm4b:s6+s2], $0x80, $0x38;
	[tilespmem:$0x18400] =	vst v63  }
0xe7: {  	s14 =	simm.s32 $0x8500;
	s11 =	sadd.s32 s4, s11;
	s16 =	sld [smem:$0x104]  }
0xe8: {  	[tilespmem:s14], [sflag:$0x2] =	stream.linear.gather [hbm4b:s11+s2], $0x80, $0x38;
	[tilespmem:$0x18400] =	vst v63  }
0xe9: {  	s15 =	sadd.s32 s3, s12;
	s17 =	simm.s32 $0x580;
	s31 =	sld [smem:$0x304]  }
0xea: {  	[tilespmem:s17], [sflag:$0x1] =	stream.linear.gather [hbm4b:s15+s2], $0x80, $0x38;
	[tilespmem:$0x18400] =	vst v63  }
0xeb: {  	s0 =	simm.s32 $0x0;
	s24 =	simm.s32 $0x8580;
	s10 =	sshll.u32 s10, $0x4  }
0xec: {  	s6 =	simm.s32 $0x8680;
	s15 =	simm.s32 $0x600;
	s10 =	sand.u32 $0x1FFFFFF0, s10  }
0xed: {  	s26 =	sld [smem:$0x105];
	s12 =	sshll.u32 s16, $0x4;
	s11 =	sadd.s32 s4, s10  }
0xee: {  	[tilespmem:s24], [sflag:$0x2] =	stream.linear.gather [hbm4b:s11+s2], $0x80, $0x38;
	[tilespmem:$0x18400] =	vst v63  }
0xef: {  	s12 =	sand.u32 $0x1FFFFFF0, s12;
	s25 =	sshll.u32 s31, $0x4;
	s10 =	sld [smem:$0x107]  }
0xf0: {  	s12 =	sadd.s32 s3, s12;
	s16 =	sand.u32 $0x1FFFFFF0, s25;
	s25 =	sld [smem:$0x305]  }
0xf1: {  	[tilespmem:s15], [sflag:$0x1] =	stream.linear.gather [hbm4b:s12+s2], $0x80, $0x38;
	[tilespmem:$0x18400] =	vst v63  }
0xf2: {  	s31 =	simm.s32 $0x8600;
	s24 =	sshll.u32 s26, $0x4;
	s9 =	sld [smem:$0x307]  }
0xf3: {  	s17 =	sadd.s32 s4, s16;
	s26 =	sand.u32 $0x1FFFFFF0, s24;
	s13 =	sld [smem:$0x106]  }
0xf4: {  	[tilespmem:s31], [sflag:$0x2] =	stream.linear.gather [hbm4b:s17+s2], $0x80, $0x38;
	[tilespmem:$0x18400] =	vst v63  }
0xf5: {  	s24 =	simm.s32 $0x10F;
	s12 =	simm.s32 $0x680;
	s25 =	sshll.u32 s25, $0x4  }
0xf6: {  	s14 =	sadd.s32 s3, s26;
	s26 =	simm.s32 $0x1000;
	s31 =	sand.u32 $0x1FFFFFF0, s25  }
0xf7: {  	s15 =	sld [smem:$0x306];
	s25 =	simm.s32 $0x30F;
	s11 =	sadd.s32 s4, s31  }
.LBB2_6:
0xf8: {  	[tilespmem:s12], [sflag:$0x1] =	stream.linear.gather [hbm4b:s14+s2], $0x80, $0x38;
	[tilespmem:$0x18400] =	vst v63  }
0xf9: {  	s23 =	sadd.s32 $0x8, s23;
	s13 =	sshll.u32 s13, $0x4;
	s12 =	sld [smem:s25+$0xFFFFFFF9]  }
0xfa: {  	p0 =	slt.u32 s23, $0xF8;
	s13 =	sand.u32 $0x1FFFFFF0, s13;
	s14 =	sshll.u32 s15, $0x4  }
0xfb: {  	s13 =	sadd.s32 s3, s13;
	s15 =	sld [smem:s24+$0xFFFFFFFA];
	s14 =	sand.u32 $0x1FFFFFF0, s14  }
0xfc: {  	[tilespmem:s6], [sflag:$0x2] =	stream.linear.gather [hbm4b:s11+s2], $0x80, $0x38;
	[tilespmem:$0x18400] =	vst v63  }
0xfd: {  	s10 =	sshll.u32 s10, $0x4;
	s11 =	sadd.s32 s4, s14;
	s6 =	sld [smem:s25+$0xFFFFFFFA]  }
0xfe: {  	[tilespmem:s29], [sflag:$0x1] =	stream.linear.gather [hbm4b:s13+s2], $0x80, $0x38;
	[tilespmem:$0x18400] =	vst v63  }
0xff: {  	s10 =	sand.u32 $0x1FFFFFF0, s10;
	s14 =	sadd.s32 $0x780, s0;
	s13 =	sld [smem:s24+$0xFFFFFFF9]  }
0x100: {  	[tilespmem:s28], [sflag:$0x2] =	stream.linear.gather [hbm4b:s11+s2], $0x80, $0x38;
	[tilespmem:$0x18400] =	vst v63  }
0x101: {  	s16 =	sadd.s32 $0x8780, s0;
	s10 =	sadd.s32 s3, s10;
	s11 =	sld [smem:s24+$0xFFFFFFFC]  }
0x102: {  	[tilespmem:s14], [sflag:$0x1] =	stream.linear.gather [hbm4b:s10+s2], $0x80, $0x38;
	[tilespmem:$0x18400] =	vst v63  }
0x103: {  	s9 =	sshll.u32 s9, $0x4;
	s0 =	sshra.s32 s26, $0x2;
	s10 =	sld [smem:s25+$0xFFFFFFFB]  }
0x104: {  	s9 =	sand.u32 $0x1FFFFFF0, s9;
	s13 =	sshll.u32 s13, $0x4;
	s11 =	sshll.u32 s11, $0x4  }
0x105: {  	s9 =	sadd.s32 s4, s9;
	s13 =	sand.u32 $0x1FFFFFF0, s13;
	s11 =	sand.u32 $0x1FFFFFF0, s11  }
0x106: {  	[tilespmem:s16], [sflag:$0x2] =	stream.linear.gather [hbm4b:s9+s2], $0x80, $0x38;
	[tilespmem:$0x18400] =	vst v63  }
0x107: {  	s12 =	sshll.u32 s12, $0x4;
	s13 =	sadd.s32 s3, s13;
	s9 =	sadd.s32 $0x400, s0  }
0x108: {  	s12 =	sand.u32 $0x1FFFFFF0, s12;
	s6 =	sshll.u32 s6, $0x4;
	s14 =	sld [smem:s24+$0xFFFFFFFB]  }
0x109: {  	s12 =	sadd.s32 s4, s12;
	s15 =	sshll.u32 s15, $0x4;
	s16 =	sadd.s32 $0x8400, s0  }
0x10a: {  	[tilespmem:s9], [sflag:$0x1] =	stream.linear.gather [hbm4b:s13+s2], $0x80, $0x38;
	[tilespmem:$0x18400] =	vst v63  }
0x10b: {  	s6 =	sand.u32 $0x1FFFFFF0, s6;
	s9 =	sadd.s32 $0x480, s0;
	s13 =	sand.u32 $0x1FFFFFF0, s15  }
0x10c: {  	[tilespmem:s16], [sflag:$0x2] =	stream.linear.gather [hbm4b:s12+s2], $0x80, $0x38;
	[tilespmem:$0x18400] =	vst v63  }
0x10d: {  	s6 =	sadd.s32 s4, s6;
	s12 =	sadd.s32 s3, s13;
	s13 =	sshll.u32 s14, $0x4  }
0x10e: {  	[tilespmem:s9], [sflag:$0x1] =	stream.linear.gather [hbm4b:s12+s2], $0x80, $0x38;
	[tilespmem:$0x18400] =	vst v63  }
0x10f: {  	s10 =	sshll.u32 s10, $0x4;
	s9 =	sadd.s32 $0x8480, s0;
	s12 =	sand.u32 $0x1FFFFFF0, s13  }
0x110: {  	s10 =	sand.u32 $0x1FFFFFF0, s10;
	s13 =	sadd.s32 $0x500, s0;
	s12 =	sadd.s32 s3, s12  }
0x111: {  	[tilespmem:s9], [sflag:$0x2] =	stream.linear.gather [hbm4b:s6+s2], $0x80, $0x38;
	[tilespmem:$0x18400] =	vst v63  }
0x112: {  	s28 =	sadd.s32 $0x8700, s0;
	s9 =	sadd.s32 s4, s10;
	s6 =	sld [smem:s25+$0xFFFFFFFC]  }
0x113: {  	[tilespmem:s13], [sflag:$0x1] =	stream.linear.gather [hbm4b:s12+s2], $0x80, $0x38;
	[tilespmem:$0x18400] =	vst v63  }
0x114: {  	s29 =	sadd.s32 $0x700, s0;
	s11 =	sadd.s32 s3, s11;
	s10 =	sadd.s32 $0x8500, s0  }
0x115: {  	s12 =	sshll.u32 s6, $0x4;
	s13 =	sld [smem:s24+$0xFFFFFFFD];
	s6 =	sadd.s32 $0x8680, s0  }
0x116: {  	[tilespmem:s10], [sflag:$0x2] =	stream.linear.gather [hbm4b:s9+s2], $0x80, $0x38;
	[tilespmem:$0x18400] =	vst v63  }
0x117: {  	s15 =	smov.u32 s24;
	s9 =	sadd.s32 $0x580, s0;
	s10 =	sand.u32 $0x1FFFFFF0, s12  }
0x118: {  	s12 =	sadd.s32 $0x8580, s0;
	s10 =	sadd.s32 s4, s10;
	s13 =	sshll.u32 s13, $0x4  }
0x119: {  	s16 =	smov.u32 s25;
	s13 =	sand.u32 $0x1FFFFFF0, s13;
	s14 =	sld [smem:s25+$0xFFFFFFFD]  }
0x11a: {  	[tilespmem:s9], [sflag:$0x1] =	stream.linear.gather [hbm4b:s11+s2], $0x80, $0x38;
	[tilespmem:$0x18400] =	vst v63  }
0x11b: {  	s9 =	sadd.s32 $0x600, s0;
	s11 =	sadd.s32 s3, s13  }
0x11c: {  	s13 =	sshll.u32 s14, $0x4;
	s14 =	sld [smem:s24+$0xFFFFFFFE]  }
0x11d: {  	[tilespmem:s12], [sflag:$0x2] =	stream.linear.gather [hbm4b:s10+s2], $0x80, $0x38;
	[tilespmem:$0x18400] =	vst v63  }
0x11e: {  	s12 =	sand.u32 $0x1FFFFFF0, s13  }
0x11f: {  	s31 =	sadd.s32 $0x8600, s0;
	s10 =	sld [smem:s24+$0x0];
	s17 =	sadd.s32 s4, s12  }
0x120: {  	s24 =	sadd.s32 $0x8, s24;
	s12 =	sshll.u32 s14, $0x4;
	s13 =	sld [smem:s25+$0xFFFFFFFE]  }
0x121: {  	[tilespmem:s9], [sflag:$0x1] =	stream.linear.gather [hbm4b:s11+s2], $0x80, $0x38;
	[tilespmem:$0x18400] =	vst v63  }
.Ltmp2:
0x122: {  	s11 =	sand.u32 $0x1FFFFFF0, s12;
	s9 =	sld [smem:s25+$0x0];
	(pc) =	sbr.rel @p0 .LBB2_6-.Ltmp2, $4  }
0x123: {  	s12 =	sadd.s32 $0x680, s0;
	s14 =	sadd.s32 s3, s11;
	s11 =	sshll.u32 s13, $0x4  }
0x124: {  	s25 =	sadd.s32 $0x8, s25;
	s11 =	sand.u32 $0x1FFFFFF0, s11;
	s13 =	sld [smem:s15+$0xFFFFFFFF]  }
0x125: {  	[tilespmem:s31], [sflag:$0x2] =	stream.linear.gather [hbm4b:s17+s2], $0x80, $0x38;
	[tilespmem:$0x18400] =	vst v63  }
0x126: {  	s26 =	sadd.s32 $0x1000, s26;
	s11 =	sadd.s32 s4, s11;
	s15 =	sld [smem:s16+$0xFFFFFFFF]  }
0x127: {  	[tilespmem:s12], [sflag:$0x1] =	stream.linear.gather [hbm4b:s14+s2], $0x80, $0x38;
	[tilespmem:$0x18400] =	vst v63  }
0x128: {  	s14 =	sshll.u32 s13, $0x4  }
0x129: {  	s12 =	sand.u32 $0x1FFFFFF0, s14;
	s16 =	sshll.u32 s15, $0x4  }
0x12a: {  	[tilespmem:s6], [sflag:$0x2] =	stream.linear.gather [hbm4b:s11+s2], $0x80, $0x38;
	[tilespmem:$0x18400] =	vst v63  }
0x12b: {  	s10 =	sshll.u32 s10, $0x4;
	s17 =	sadd.s32 s3, s12;
	s23 =	sand.u32 $0x1FFFFFF0, s16  }
0x12c: {  	[tilespmem:s29], [sflag:$0x1] =	stream.linear.gather [hbm4b:s17+s2], $0x80, $0x38;
	[tilespmem:$0x18400] =	vst v63  }
0x12d: {  	s26 =	sshll.u32 s9, $0x4;
	s10 =	sand.u32 $0x1FFFFFF0, s10;
	s24 =	sadd.s32 s4, s23  }
0x12e: {  	[tilespmem:s28], [sflag:$0x2] =	stream.linear.gather [hbm4b:s24+s2], $0x80, $0x38;
	[tilespmem:$0x18400] =	vst v63  }
0x12f: {  	s25 =	sadd.s32 $0x780, s0;
	s10 =	sadd.s32 s3, s10;
	s6 =	sand.u32 $0x1FFFFFF0, s26  }
0x130: {  	[tilespmem:s25], [sflag:$0x1] =	stream.linear.gather [hbm4b:s10+s2], $0x80, $0x38;
	[tilespmem:$0x18400] =	vst v63  }
0x131: {  	s6 =	sadd.s32 s4, s6;
	s28 =	sadd.s32 $0x8780, s0  }
0x132: {  	[tilespmem:s28], [sflag:$0x2] =	stream.linear.gather [hbm4b:s6+s2], $0x80, $0x38;
	[tilespmem:$0x18400] =	vst v63  }
0x133: {  	_ =	swait.ge [sflag:s20], $0x8000  }
0x134: {  	[sflag:s20] =	ssyncset.done $0x0  }
0x135: {  	[sflag:s20] =	ssyncadd.s32 $0xFFFF8000  }
0x136: {  	_ =	swait.ge [sflag:s30], $0x8000  }
0x137: {  	[sflag:s30] =	ssyncset.done $0x0  }
0x138: {  	s29 =	simm.s32 $0x500;
	[sflag:s30] =	ssyncadd.s32 $0xFFFF8000  }
0x139: {  	v1 =	vld [tilespmem:s29+$0xFFFFFF80]  }
0x13a: {  	v0 =	vld [tilespmem:s29+$0x80]  }
0x13b: {  	v2 =	vld [tilespmem:s29+$0x0];
	_ =	sdelay $0x1  }
0x13c: {  	s0 =	simm.s32 $0x10500  }
0x13d: {  	s31 =	simm.s32 $0x8500;
	v3 =	vld [tilespmem:s29+$0xFFFFFF00];
	[tilespmem:s0+$0xFFFFFF80] =	vst v1  }
0x13e: {  	[tilespmem:s0+$0x80] =	vst v0;
	v1 =	vld [tilespmem:s31+$0xFFFFFF80]  }
0x13f: {  	[tilespmem:s0+$0x0] =	vst v2;
	v0 =	vld [tilespmem:s31+$0x80]  }
0x140: {  	v2 =	vld [tilespmem:s31+$0x0]  }
0x141: {  	s23 =	simm.s32 $0x700  }
0x142: {  	v4 =	vld [tilespmem:s23+$0x80];
	[tilespmem:s0+$0xFFFFFF00] =	vst v3  }
0x143: {  	v3 =	vld [tilespmem:s31+$0xFFFFFF00];
	[tilespmem:s0+$0xFFFFFFA0] =	vst v1  }
0x144: {  	[tilespmem:s0+$0xA0] =	vst v0;
	v1 =	vld [tilespmem:s29+$0xFFFFFF90]  }
0x145: {  	[tilespmem:s0+$0x20] =	vst v2;
	v0 =	vld [tilespmem:s29+$0x90]  }
0x146: {  	s6 =	simm.s32 $0x10700;
	v2 =	vld [tilespmem:s29+$0x10]  }
0x147: {  	s24 =	simm.s32 $0x8700;
	v5 =	vld [tilespmem:s23+$0xFFFFFF80];
	[tilespmem:s6+$0x80] =	vst v4  }
0x148: {  	v4 =	vld [tilespmem:s24+$0x80];
	[tilespmem:s0+$0xFFFFFF20] =	vst v3  }
0x149: {  	[tilespmem:s0+$0xFFFFFF90] =	vst v1;
	v1 =	vld [tilespmem:s23+$0x0]  }
0x14a: {  	v3 =	vld [tilespmem:s23+$0xFFFFFF00];
	[tilespmem:s0+$0x90] =	vst v0  }
0x14b: {  	[tilespmem:s0+$0x10] =	vst v2;
	v2 =	vld [tilespmem:s29+$0xFFFFFF10]  }
0x14c: {  	[tilespmem:s6+$0xFFFFFF80] =	vst v5;
	v0 =	vld [tilespmem:s31+$0x90]  }
0x14d: {  	v5 =	vld [tilespmem:s24+$0xFFFFFF80];
	[tilespmem:s6+$0xA0] =	vst v4  }
0x14e: {  	[tilespmem:s6+$0x0] =	vst v1;
	v1 =	vld [tilespmem:s31+$0xFFFFFF90]  }
0x14f: {  	[tilespmem:s6+$0xFFFFFF00] =	vst v3;
	v6 =	vld [tilespmem:s24+$0x0]  }
0x150: {  	v7 =	vld [tilespmem:s24+$0xFFFFFF00];
	[tilespmem:s0+$0xFFFFFF10] =	vst v2  }
0x151: {  	[tilespmem:s0+$0xB0] =	vst v0;
	v0 =	vld [tilespmem:s31+$0xFFFFFF10]  }
0x152: {  	[tilespmem:s6+$0xFFFFFFA0] =	vst v5;
	v2 =	vld [tilespmem:s23+$0x90]  }
0x153: {  	v3 =	vld [tilespmem:s23+$0xFFFFFF90];
	[tilespmem:s0+$0xFFFFFFB0] =	vst v1  }
0x154: {  	v1 =	vld [tilespmem:s31+$0x10];
	[tilespmem:s6+$0x20] =	vst v6  }
0x155: {  	s9 =	simm.s32 $0x8700;
	s10 =	simm.s32 $0x4;
	s25 =	simm.s32 $0x900;
	[tilespmem:s6+$0xFFFFFF20] =	vst v7;
	v4 =	vld [tilespmem:s23+$0x10]  }
.LBB2_8:
0x156: {  	v5 =	vld [tilespmem:s25+$0x80];
	s10 =	sadd.s32 $0x4, s10;
	[tilespmem:s0+$0xFFFFFF30] =	vst v0  }
0x157: {  	v0 =	vld [tilespmem:s25+$0xFFFFFF80];
	p0 =	slt.u32 s10, $0xFC;
	[tilespmem:s6+$0x90] =	vst v2  }
0x158: {  	[tilespmem:s6+$0xFFFFFF90] =	vst v3;
	v2 =	vld [tilespmem:s24+$0x90]  }
0x159: {  	v3 =	vld [tilespmem:s25+$0x0];
	[tilespmem:s0+$0x30] =	vst v1;
	s0 =	smov.u32 s6  }
0x15a: {  	s6 =	sadd.s32 $0x200, s6;
	v1 =	vld [tilespmem:s25+$0xFFFFFF00];
	[tilespmem:s0+$0x10] =	vst v4  }
0x15b: {  	s24 =	sadd.s32 $0x200, s24;
	[tilespmem:s6+$0x80] =	vst v5;
	v4 =	vld [tilespmem:s23+$0xFFFFFF10];
	s23 =	smov.u32 s25  }
0x15c: {  	[tilespmem:s6+$0xFFFFFF80] =	vst v0;
	v0 =	vld [tilespmem:s24+$0x80]  }
0x15d: {  	v5 =	vld [tilespmem:s24+$0xFFFFFF80];
	[tilespmem:s0+$0xB0] =	vst v2  }
0x15e: {  	[tilespmem:s6+$0x0] =	vst v3;
	v6 =	vld [tilespmem:s9+$0xFFFFFF90]  }
0x15f: {  	[tilespmem:s6+$0xFFFFFF00] =	vst v1;
	v1 =	vld [tilespmem:s24+$0x0]  }
0x160: {  	v7 =	vld [tilespmem:s24+$0xFFFFFF00];
	[tilespmem:s0+$0xFFFFFF10] =	vst v4  }
.Ltmp3:
0x161: {  	[tilespmem:s6+$0xA0] =	vst v0;
	v0 =	vld [tilespmem:s9+$0xFFFFFF10];
	(pc) =	sbr.rel @p0 .LBB2_8-.Ltmp3, $4  }
0x162: {  	[tilespmem:s6+$0xFFFFFFA0] =	vst v5;
	v2 =	vld [tilespmem:s25+$0x90]  }
0x163: {  	v3 =	vld [tilespmem:s25+$0xFFFFFF90];
	[tilespmem:s0+$0xFFFFFFB0] =	vst v6  }
0x164: {  	[tilespmem:s6+$0x20] =	vst v1;
	v1 =	vld [tilespmem:s9+$0x10];
	s9 =	smov.u32 s24  }
0x165: {  	s25 =	sadd.s32 $0x200, s25;
	[tilespmem:s6+$0xFFFFFF20] =	vst v7;
	v4 =	vld [tilespmem:s23+$0x10]  }
0x166: {  	v5 =	vld [tilespmem:s23+$0xFFFFFF10];
	_ =	sdelay $0x1  }
0x167: {  	[tilespmem:s6+$0x90] =	vst v2  }
0x168: {  	[tilespmem:s6+$0xFFFFFF90] =	vst v3;
	v2 =	vld [tilespmem:s24+$0x90]  }
0x169: {  	v3 =	vld [tilespmem:s9+$0xFFFFFF90];
	[tilespmem:s6+$0x10] =	vst v4  }
0x16a: {  	[tilespmem:s6+$0xFFFFFF10] =	vst v5;
	v63 =	vld [tilespmem:s9+$0x10]  }
0x16b: {  	[tilespmem:s0+$0xFFFFFF30] =	vst v0;
	v62 =	vld [tilespmem:s9+$0xFFFFFF10]  }
0x16c: {  	[tilespmem:s0+$0x30] =	vst v1  }
0x16d: {  	[tilespmem:s6+$0xB0] =	vst v2  }
0x16e: {  	[tilespmem:s6+$0xFFFFFFB0] =	vst v3  }
0x16f: {  	[tilespmem:s6+$0x30] =	vst v63  }
0x170: {  	[tilespmem:s6+$0xFFFFFF30] =	vst v62  }
0x171: {  	s17 =	simm.s32 $0x10400;
	s0 =	rddreg [dreg:$0x8]  }
0x172: {  	[hbm4b:s0+s2] =	stream.linear.scatter [tilespmem:s17], [sflag:$0x3], $0x8000, $0x38;
	[tilespmem:$0x18400] =	vst v63  }
0x173: {  	_ =	swait.ge [sflag:s22], $0x8000  }
0x174: {  	s1 =	sadd.s32 $0x1, s1;
	s31 =	rddreg [dreg:$0x9]  }
0x175: {  	p0 =	sne.s32 s1, s31  }
.Ltmp4:
0x176: {  	_ = 	snop;
	(pc) =	sbr.rel @p0 .LBB2_1-.Ltmp4, $3  }
0x177: {  	_ =	sdelay $0x1  }
0x178: {  	[sflag:s22] =	ssyncset.done $0x0  }
0x179: {  	[sflag:s22] =	ssyncadd.s32 $0xFFFF8000  }
0x17a: {  	_ =	sfence.sel $0x180000  }
0x17b: {  	[bflag:$0x0] =	sbarrier.arrive $0xFFFF  }
0x17c: {  	_ =	strace $0x90000047  }
0x17d: {  	s0 =	stileid.u32;
	[bflag:$0x2] =	sbarrier.arrive $0xFFFF  }
0x17e: {  	p0 =	sne.s32 s0, $0x0;
	s0 =	rddreg [dreg:$0x4]  }
0x17f: {  	s0 =	sadd.s32 @!p0 $0x100000, s0  }
0x180: {  	[sflag:s0] =	ssyncadd.tile.s32 @!p0 $0x1;
	_ =	shalt  }
.Lfunc_end2:
_tile_overlayer_lowered:
.L_overlay_start_2:
0x181: {  	(tag) =	ssettag $0x2  }
0x182: {  	s0 =	rddreg [dreg:$0x0];
	s2 =	stileid.u32  }
0x183: {  	s1 =	rddreg [dreg:$0x1];
	p0 =	sne.s32 s2, $0x0  }
0x184: {  	s3 =	rddreg [dreg:$0x2];
	[bflag:$0x3] =	sbarrier.arrive $0xFFFF;
	s2 =	simm.s32 @!p0 $0x1C03  }
0x185: {  	[timem:s3], [sflag:s2] =	dma.local @!p0 [hbm:s0], s1  }
0x186: {  	s0 =	simm.s32 @!p0 $0x3  }
0x187: {  	_ =	swait.ge @!p0 [sflag:s0], s1  }
0x188: {  	s1 =	ssub.s32 @!p0 $0x0, s1;
	[sflag:s0] =	ssyncset.done @!p0 $0x0  }
0x189: {  	[sflag:s0] =	ssyncadd.s32 @!p0 s1  }
0x18a: {  	[bflag:$0x3] =	sbarrier.arrive $0xFFFF  }
0x18b: {  	_ =	shalt  }

</sc_bundles>
